<compile_context>
chip_gen: v7x
topology: tpu7x:2x2x1
jax: 0.10.2.dev20260603
libtpu: 0.0.44.dev20260713+nightly
codegen_flags: <defaults>
</compile_context>

<pallas_src>
import functools

import jax
import jax.numpy as jnp
from jax import lax
from jax.experimental import pallas as pl
from jax.experimental.pallas import tpu as pltpu
from jax.experimental.pallas import tpu_sc as plsc

N = 10000
NPAD = 10240
E = 320000
D = 128
NC = 2
NS = 16
NW = NC * NS
EPW = E // NW
CHUNK = 128
NCH = (EPW + CHUNK - 1) // CHUNK
EPW_PAD = NCH * CHUNK
ROWS_PER_TILE = NPAD // NS

@functools.cache
def _mesh():
    return plsc.VectorSubcoreMesh(core_axis_name="c", subcore_axis_name="s",
                                  num_cores=NC, num_subcores=NS)


def _zero_fill(buf, rows, cols, val=0.0):
    v = jnp.full((16,), val, jnp.float32)

    def row(r, _):
        def col(c, __):
            buf[r, pl.ds(c * 16, 16)] = v
            return __
        return lax.fori_loop(0, cols // 16, col, _)

    lax.fori_loop(0, rows, row, None)


def _deg_body(dstp_hbm, out_hbm, dst_v, ones_v, sem, acc):
    cid = lax.axis_index("c")
    sid = lax.axis_index("s")
    wid = sid * NC + cid
    pltpu.sync_copy(dstp_hbm.at[wid], dst_v)
    _zero_fill(ones_v, CHUNK, D, 0.0)
    base = sid * ROWS_PER_TILE
    for i in range(ROWS_PER_TILE // CHUNK):
        pltpu.sync_copy(ones_v, acc.at[pl.ds(base + i * CHUNK, CHUNK)])
    _zero_fill(ones_v, CHUNK, D, 1.0)
    plsc.subcore_barrier()

    def body(j, _):
        pltpu.sync_copy(ones_v, acc.at[dst_v.at[j]], add=True)
        return _

    lax.fori_loop(0, NCH, body, None)
    plsc.subcore_barrier()
    pltpu.sync_copy(acc.at[pl.ds(base, ROWS_PER_TILE)],
                    out_hbm.at[cid, pl.ds(base, ROWS_PER_TILE)])


@functools.cache
def _deg_call():
    return pl.kernel(
        _deg_body,
        out_type=jax.ShapeDtypeStruct((NC, NPAD, D), jnp.float32),
        mesh=_mesh(),
        scratch_types=[
            pltpu.VMEM((NCH, CHUNK), jnp.int32),
            pltpu.VMEM((CHUNK, D), jnp.float32),
            pltpu.SemaphoreType.DMA,
            pltpu.VMEM_SHARED((NPAD, D), jnp.float32),
        ],
    )


def _mp_body(xs_hbm, srcp_hbm, dstp_hbm, out_hbm, src_v, dst_v, buf, gsem, acc):
    cid = lax.axis_index("c")
    sid = lax.axis_index("s")
    wid = sid * NC + cid
    pltpu.sync_copy(srcp_hbm.at[wid], src_v)
    pltpu.sync_copy(dstp_hbm.at[wid], dst_v)
    _zero_fill(buf, CHUNK, D, 0.0)
    base = sid * ROWS_PER_TILE
    for i in range(ROWS_PER_TILE // CHUNK):
        pltpu.sync_copy(buf, acc.at[pl.ds(base + i * CHUNK, CHUNK)])
    plsc.subcore_barrier()

    def body(j, _):
        pltpu.async_copy(xs_hbm.at[src_v.at[j]], buf, gsem).wait()
        pltpu.sync_copy(buf, acc.at[dst_v.at[j]], add=True)
        return _

    lax.fori_loop(0, NCH, body, None)
    plsc.subcore_barrier()
    pltpu.sync_copy(acc.at[pl.ds(base, ROWS_PER_TILE)],
                    out_hbm.at[cid, pl.ds(base, ROWS_PER_TILE)])


@functools.cache
def _mp_call():
    return pl.kernel(
        _mp_body,
        out_type=jax.ShapeDtypeStruct((NC, NPAD, D), jnp.float32),
        mesh=_mesh(),
        scratch_types=[
            pltpu.VMEM((NCH, CHUNK), jnp.int32),
            pltpu.VMEM((NCH, CHUNK), jnp.int32),
            pltpu.VMEM((CHUNK, D), jnp.float32),
            pltpu.SemaphoreType.DMA,
            pltpu.VMEM_SHARED((NPAD, D), jnp.float32),
        ],
    )


_BR = 1024
_GRID = NPAD // _BR


def _dinv_of(degw_ref):
    deg = degw_ref[0, :, 0] + degw_ref[1, :, 0] + 1.0
    return 1.0 / jnp.sqrt(deg)


def _k1_body(x_ref, w_ref, degw_ref, o_ref):
    dinv = _dinv_of(degw_ref)
    xw = jnp.dot(x_ref[...], w_ref[...], preferred_element_type=jnp.float32)
    o_ref[...] = xw * dinv[:, None]


def _k23_body(p_ref, xs_ref, degw_ref, b_ref, w_ref, o_ref):
    dinv = _dinv_of(degw_ref)
    t = (p_ref[0] + p_ref[1] + xs_ref[...]) * dinv[:, None] + b_ref[...]
    h = jnp.maximum(t, 0.0)
    o_ref[...] = jnp.dot(h, w_ref[...], preferred_element_type=jnp.float32) * dinv[:, None]


def _k4_body(p_ref, xs_ref, degw_ref, b_ref, o_ref):
    dinv = _dinv_of(degw_ref)
    t = (p_ref[0] + p_ref[1] + xs_ref[...]) * dinv[:, None] + b_ref[...]
    m = jnp.max(t, axis=1, keepdims=True)
    lse = jnp.log(jnp.sum(jnp.exp(t - m), axis=1, keepdims=True)) + m
    o_ref[...] = t - lse


_deg_spec = pl.BlockSpec((NC, _BR, D), lambda i: (0, i, 0))
_p_spec = pl.BlockSpec((NC, _BR, D), lambda i: (0, i, 0))
_row_spec = pl.BlockSpec((_BR, D), lambda i: (i, 0))
_w_spec = pl.BlockSpec((D, D), lambda i: (0, 0))
_b_spec = pl.BlockSpec((1, D), lambda i: (0, 0))
_out_shape = jax.ShapeDtypeStruct((NPAD, D), jnp.float32)

_k1_call = pl.pallas_call(
    _k1_body, grid=(_GRID,),
    in_specs=[_row_spec, _w_spec, _deg_spec],
    out_specs=_row_spec, out_shape=_out_shape)

_k23_call = pl.pallas_call(
    _k23_body, grid=(_GRID,),
    in_specs=[_p_spec, _row_spec, _deg_spec, _b_spec, _w_spec],
    out_specs=_row_spec, out_shape=_out_shape)

_k4_call = pl.pallas_call(
    _k4_body, grid=(_GRID,),
    in_specs=[_p_spec, _row_spec, _deg_spec, _b_spec],
    out_specs=_row_spec, out_shape=_out_shape)


def _pack_edges(idx):
    w = idx.reshape(NW, EPW)
    w = jnp.pad(w, ((0, 0), (0, EPW_PAD - EPW)), constant_values=N)
    return w.reshape(NW, NCH, CHUNK)


def kernel(node_feature, edge_index, batch, W1, b1, W2, b2, W3, b3):
    x = jnp.pad(node_feature, ((0, NPAD - N), (0, 0)))
    srcp = _pack_edges(edge_index[0])
    dstp = _pack_edges(edge_index[1])

    degw = _deg_call()(dstp)
    xs1 = _k1_call(x, W1, degw)
    p1 = _mp_call()(xs1, srcp, dstp)
    xs2 = _k23_call(p1, xs1, degw, b1.reshape(1, D), W2)
    p2 = _mp_call()(xs2, srcp, dstp)
    xs3 = _k23_call(p2, xs2, degw, b2.reshape(1, D), W3)
    p3 = _mp_call()(xs3, srcp, dstp)
    out = _k4_call(p3, xs3, degw, b3.reshape(1, D))
    return out[:N]

# --- scband reference (transcript-rebuilt; emitter-appended) ---
"""Pipeline reference for scband-gnn-34935263985669 (READ-ONLY COPY).

The authoritative reference and input builder live on the scoring server;
editing this copy changes nothing except your own understanding.
"""

import jax, jax.numpy as jnp
import numpy as np

N = 10000
E = 320000
D = 128
H = 128
O = 128


def setup_inputs(seed: int = 0) -> dict:
    key = jax.random.key(seed)
    ks = jax.random.split(key, 10)
    node_feature = jax.random.normal(ks[0], (N, D), dtype=jnp.float32)
    edge_index = jax.random.randint(ks[1], (2, E), 0, N, dtype=jnp.int32)
    batch = jnp.zeros((N,), dtype=jnp.int32)
    W1 = jax.random.normal(ks[2], (D, H), dtype=jnp.float32) * (1.0 / np.sqrt(D))
    b1 = jnp.zeros((H,), dtype=jnp.float32)
    W2 = jax.random.normal(ks[3], (H, H), dtype=jnp.float32) * (1.0 / np.sqrt(H))
    b2 = jnp.zeros((H,), dtype=jnp.float32)
    W3 = jax.random.normal(ks[4], (H, O), dtype=jnp.float32) * (1.0 / np.sqrt(H))
    b3 = jnp.zeros((O,), dtype=jnp.float32)
    return {"node_feature": node_feature, "edge_index": edge_index, "batch": batch,
            "W1": W1, "b1": b1, "W2": W2, "b2": b2, "W3": W3, "b3": b3}


def gcn_conv(x, src, dst, W, b, num_nodes):
    # GCNConv with added self-loops and symmetric normalization
    deg = jnp.zeros((num_nodes,), dtype=jnp.float32).at[dst].add(1.0)
    dinv = 1.0 / jnp.sqrt(deg)
    norm = dinv[src] * dinv[dst]
    xw = x @ W
    msg = xw[src] * norm[:, None]
    out = jnp.zeros((num_nodes, W.shape[1]), dtype=x.dtype).at[dst].add(msg)
    return out + b


def reference(node_feature, edge_index, batch, W1, b1, W2, b2, W3, b3):
    num_nodes = node_feature.shape[0]
    loop = jnp.arange(num_nodes, dtype=edge_index.dtype)
    src = jnp.concatenate([edge_index[0], loop])
    dst = jnp.concatenate([edge_index[1], loop])
    x = gcn_conv(node_feature, src, dst, W1, b1, num_nodes)
    x = jax.nn.relu(x)
    # dropout p=0.0 -> identity
    x = gcn_conv(x, src, dst, W2, b2, num_nodes)
    x = jax.nn.relu(x)
    x = gcn_conv(x, src, dst, W3, b3, num_nodes)
    x = jax.nn.log_softmax(x, axis=1)
    return x

if __name__ == "__main__":
    import jax
    _d = setup_inputs()
    print(jax.jit(kernel)(*tuple(_d.values())))

</pallas_src>

<mosaic_0001>
#map = affine_map<(d0, d1) -> (0, 0, 0)>
module attributes {stable_mosaic.version = 14 : i64} {
  func.func @_deg_body(%arg0: i32, %arg1: i32, %arg2: memref<32x79x128xi32, #tpu.memory_space<hbm>>, %arg3: memref<2x10240x128xf32, #tpu.memory_space<hbm>>, %arg4: memref<79x128xi32, #tpu.memory_space<vmem>>, %arg5: memref<128x128xf32, #tpu.memory_space<vmem>>, %arg6: memref<!tpu.dma_semaphore, #tpu.memory_space<semaphore_mem>>, %arg7: memref<10240x128xf32, #tpu.memory_space<vmem_shared>>) attributes {dimension_semantics = [#tpu.dimension_semantics<core_parallel>, #tpu.dimension_semantics<subcore_parallel>], iteration_bounds = array<i64: 2, 16>, scalar_prefetch = 0 : i64, scratch_operands = 4 : i64, tpu.core_type = #tpu.core_type<sc_vector_subcore>, window_params = [{transform_indices = #map}, {transform_indices = #map}]} {
    %mul3A = arith.constant 2 : i32
    %mul3A_0 = arith.muli %arg1, %mul3A : i32
    %add3A = arith.addi %mul3A_0, %arg0 : i32
    "tpu.region"() ({
      %run_scoped3A = tpu.sem_alloc : memref<!tpu.dma_semaphore, #tpu.memory_space<semaphore_mem>>
      %dma_start3A = arith.constant 0 : i32
      %dma_start3A_31 = arith.constant 0 : i32
      %dma_start3A_32 = tpu.memref_slice %arg2[%add3A, %dma_start3A, %dma_start3A_31] : memref<32x79x128xi32, #tpu.memory_space<hbm>> -> memref<1x79x128xi32, #tpu.memory_space<hbm>>
      %dma_start3A_33 = tpu.memref_squeeze %dma_start3A_32 : memref<1x79x128xi32, #tpu.memory_space<hbm>> -> memref<79x128xi32, #tpu.memory_space<hbm>>
      %dma_start3A_34 = arith.constant 0 : i32
      %dma_start3A_35 = arith.constant 0 : i32
      %dma_start3A_36 = tpu.memref_slice %arg2[%add3A, %dma_start3A_34, %dma_start3A_35] : memref<32x79x128xi32, #tpu.memory_space<hbm>> -> memref<1x79x128xi32, #tpu.memory_space<hbm>>
      %dma_start3A_37 = tpu.memref_squeeze %dma_start3A_36 : memref<1x79x128xi32, #tpu.memory_space<hbm>> -> memref<79x128xi32, #tpu.memory_space<hbm>>
      tpu.enqueue_dma source(%dma_start3A_37 : memref<79x128xi32, #tpu.memory_space<hbm>>) target(%arg4 : memref<79x128xi32, #tpu.memory_space<vmem>>) target_semaphore(%run_scoped3A : memref<!tpu.dma_semaphore, #tpu.memory_space<semaphore_mem>>)
      %dma_wait3A = arith.constant 0 : i32
      %dma_wait3A_38 = arith.constant 0 : i32
      %dma_wait3A_39 = tpu.memref_slice %arg2[%add3A, %dma_wait3A, %dma_wait3A_38] : memref<32x79x128xi32, #tpu.memory_space<hbm>> -> memref<1x79x128xi32, #tpu.memory_space<hbm>>
      %dma_wait3A_40 = tpu.memref_squeeze %dma_wait3A_39 : memref<1x79x128xi32, #tpu.memory_space<hbm>> -> memref<79x128xi32, #tpu.memory_space<hbm>>
      %dma_wait3A_41 = arith.constant 0 : i32
      %dma_wait3A_42 = arith.constant 0 : i32
      %dma_wait3A_43 = tpu.memref_slice %arg2[%add3A, %dma_wait3A_41, %dma_wait3A_42] : memref<32x79x128xi32, #tpu.memory_space<hbm>> -> memref<1x79x128xi32, #tpu.memory_space<hbm>>
      %dma_wait3A_44 = tpu.memref_squeeze %dma_wait3A_43 : memref<1x79x128xi32, #tpu.memory_space<hbm>> -> memref<79x128xi32, #tpu.memory_space<hbm>>
      tpu.wait_dma2 semaphore(%run_scoped3A : memref<!tpu.dma_semaphore, #tpu.memory_space<semaphore_mem>>) src(%dma_wait3A_44 : memref<79x128xi32, #tpu.memory_space<hbm>>) dst(%arg4 : memref<79x128xi32, #tpu.memory_space<vmem>>)
      tpu.yield
    }) : () -> ()
    %broadcast_in_dim3A = arith.constant 0.000000e+00 : f32
    %broadcast_in_dim3A_1 = vector.broadcast %broadcast_in_dim3A : f32 to vector<16xf32>
    %scan3A = arith.constant 0 : i32
    %scan3A_2 = arith.constant 128 : i32
    %scan3A_3 = arith.addi %scan3A, %scan3A_2 : i32
    %scan3A_4 = arith.constant 1 : i32
    scf.for %scan3A_31 = %scan3A to %scan3A_3 step %scan3A_4  : i32 {
      %scan3A_32 = arith.constant 0 : i32
      %scan3A_33 = arith.constant 8 : i32
      %scan3A_34 = arith.addi %scan3A_32, %scan3A_33 : i32
      %scan3A_35 = arith.constant 1 : i32
      scf.for %scan3A_37 = %scan3A_32 to %scan3A_34 step %scan3A_35  : i32 {
        %mul3A_38 = arith.constant 16 : i32
        %mul3A_39 = arith.muli %scan3A_37, %mul3A_38 : i32
        %swap3A = arith.index_cast %scan3A_31 : i32 to index
        %swap3A_40 = arith.index_cast %mul3A_39 : i32 to index
        %swap3A_41 = tpu.vector_load %arg5[%swap3A, %swap3A_40] {strides = array<i32>} : memref<128x128xf32, #tpu.memory_space<vmem>>, vector<1x16xf32>,
        %swap3A_42 = vector.shape_cast %swap3A_41 : vector<1x16xf32> to vector<16xf32>
        %swap3A_43 = vector.shape_cast %broadcast_in_dim3A_1 : vector<16xf32> to vector<1x16xf32>
        tpu.vector_store %arg5[%swap3A, %swap3A_40], %swap3A_43 {strides = array<i32>} : memref<128x128xf32, #tpu.memory_space<vmem>>, vector<1x16xf32>,
      }
      %scan3A_36 = arith.constant 8 : i32
    }
    %scan3A_5 = arith.constant 128 : i32
    %mul3A_6 = arith.constant 640 : i32
    %mul3A_7 = arith.muli %arg1, %mul3A_6 : i32
    %add3A_8 = arith.constant 0 : i32
    %add3A_9 = arith.addi %mul3A_7, %add3A_8 : i32
    "tpu.region"() ({
      %run_scoped3A = tpu.sem_alloc : memref<!tpu.dma_semaphore, #tpu.memory_space<semaphore_mem>>
      %dma_start3A = arith.constant 0 : i32
      %dma_start3A_31 = tpu.memref_slice %arg7[%add3A_9, %dma_start3A] : memref<10240x128xf32, #tpu.memory_space<vmem_shared>> -> memref<128x128xf32, #tpu.memory_space<vmem_shared>>
      %dma_start3A_32 = arith.constant 0 : i32
      %dma_start3A_33 = tpu.memref_slice %arg7[%add3A_9, %dma_start3A_32] : memref<10240x128xf32, #tpu.memory_space<vmem_shared>> -> memref<128x128xf32, #tpu.memory_space<vmem_shared>>
      tpu.enqueue_dma source(%arg5 : memref<128x128xf32, #tpu.memory_space<vmem>>) target(%dma_start3A_33 : memref<128x128xf32, #tpu.memory_space<vmem_shared>>) target_semaphore(%run_scoped3A : memref<!tpu.dma_semaphore, #tpu.memory_space<semaphore_mem>>)
      %dma_wait3A = arith.constant 0 : i32
      %dma_wait3A_34 = tpu.memref_slice %arg7[%add3A_9, %dma_wait3A] : memref<10240x128xf32, #tpu.memory_space<vmem_shared>> -> memref<128x128xf32, #tpu.memory_space<vmem_shared>>
      %dma_wait3A_35 = arith.constant 0 : i32
      %dma_wait3A_36 = tpu.memref_slice %arg7[%add3A_9, %dma_wait3A_35] : memref<10240x128xf32, #tpu.memory_space<vmem_shared>> -> memref<128x128xf32, #tpu.memory_space<vmem_shared>>
      tpu.wait_dma2 semaphore(%run_scoped3A : memref<!tpu.dma_semaphore, #tpu.memory_space<semaphore_mem>>) src(%arg5 : memref<128x128xf32, #tpu.memory_space<vmem>>) dst(%dma_wait3A_36 : memref<128x128xf32, #tpu.memory_space<vmem_shared>>)
      tpu.yield
    }) : () -> ()
    %add3A_10 = arith.constant 128 : i32
    %add3A_11 = arith.addi %mul3A_7, %add3A_10 : i32
    "tpu.region"() ({
      %run_scoped3A = tpu.sem_alloc : memref<!tpu.dma_semaphore, #tpu.memory_space<semaphore_mem>>
      %dma_start3A = arith.constant 0 : i32
      %dma_start3A_31 = tpu.memref_slice %arg7[%add3A_11, %dma_start3A] : memref<10240x128xf32, #tpu.memory_space<vmem_shared>> -> memref<128x128xf32, #tpu.memory_space<vmem_shared>>
      %dma_start3A_32 = arith.constant 0 : i32
      %dma_start3A_33 = tpu.memref_slice %arg7[%add3A_11, %dma_start3A_32] : memref<10240x128xf32, #tpu.memory_space<vmem_shared>> -> memref<128x128xf32, #tpu.memory_space<vmem_shared>>
      tpu.enqueue_dma source(%arg5 : memref<128x128xf32, #tpu.memory_space<vmem>>) target(%dma_start3A_33 : memref<128x128xf32, #tpu.memory_space<vmem_shared>>) target_semaphore(%run_scoped3A : memref<!tpu.dma_semaphore, #tpu.memory_space<semaphore_mem>>)
      %dma_wait3A = arith.constant 0 : i32
      %dma_wait3A_34 = tpu.memref_slice %arg7[%add3A_11, %dma_wait3A] : memref<10240x128xf32, #tpu.memory_space<vmem_shared>> -> memref<128x128xf32, #tpu.memory_space<vmem_shared>>
      %dma_wait3A_35 = arith.constant 0 : i32
      %dma_wait3A_36 = tpu.memref_slice %arg7[%add3A_11, %dma_wait3A_35] : memref<10240x128xf32, #tpu.memory_space<vmem_shared>> -> memref<128x128xf32, #tpu.memory_space<vmem_shared>>
      tpu.wait_dma2 semaphore(%run_scoped3A : memref<!tpu.dma_semaphore, #tpu.memory_space<semaphore_mem>>) src(%arg5 : memref<128x128xf32, #tpu.memory_space<vmem>>) dst(%dma_wait3A_36 : memref<128x128xf32, #tpu.memory_space<vmem_shared>>)
      tpu.yield
    }) : () -> ()
    %add3A_12 = arith.constant 256 : i32
    %add3A_13 = arith.addi %mul3A_7, %add3A_12 : i32
    "tpu.region"() ({
      %run_scoped3A = tpu.sem_alloc : memref<!tpu.dma_semaphore, #tpu.memory_space<semaphore_mem>>
      %dma_start3A = arith.constant 0 : i32
      %dma_start3A_31 = tpu.memref_slice %arg7[%add3A_13, %dma_start3A] : memref<10240x128xf32, #tpu.memory_space<vmem_shared>> -> memref<128x128xf32, #tpu.memory_space<vmem_shared>>
      %dma_start3A_32 = arith.constant 0 : i32
      %dma_start3A_33 = tpu.memref_slice %arg7[%add3A_13, %dma_start3A_32] : memref<10240x128xf32, #tpu.memory_space<vmem_shared>> -> memref<128x128xf32, #tpu.memory_space<vmem_shared>>
      tpu.enqueue_dma source(%arg5 : memref<128x128xf32, #tpu.memory_space<vmem>>) target(%dma_start3A_33 : memref<128x128xf32, #tpu.memory_space<vmem_shared>>) target_semaphore(%run_scoped3A : memref<!tpu.dma_semaphore, #tpu.memory_space<semaphore_mem>>)
      %dma_wait3A = arith.constant 0 : i32
      %dma_wait3A_34 = tpu.memref_slice %arg7[%add3A_13, %dma_wait3A] : memref<10240x128xf32, #tpu.memory_space<vmem_shared>> -> memref<128x128xf32, #tpu.memory_space<vmem_shared>>
      %dma_wait3A_35 = arith.constant 0 : i32
      %dma_wait3A_36 = tpu.memref_slice %arg7[%add3A_13, %dma_wait3A_35] : memref<10240x128xf32, #tpu.memory_space<vmem_shared>> -> memref<128x128xf32, #tpu.memory_space<vmem_shared>>
      tpu.wait_dma2 semaphore(%run_scoped3A : memref<!tpu.dma_semaphore, #tpu.memory_space<semaphore_mem>>) src(%arg5 : memref<128x128xf32, #tpu.memory_space<vmem>>) dst(%dma_wait3A_36 : memref<128x128xf32, #tpu.memory_space<vmem_shared>>)
      tpu.yield
    }) : () -> ()
    %add3A_14 = arith.constant 384 : i32
    %add3A_15 = arith.addi %mul3A_7, %add3A_14 : i32
    "tpu.region"() ({
      %run_scoped3A = tpu.sem_alloc : memref<!tpu.dma_semaphore, #tpu.memory_space<semaphore_mem>>
      %dma_start3A = arith.constant 0 : i32
      %dma_start3A_31 = tpu.memref_slice %arg7[%add3A_15, %dma_start3A] : memref<10240x128xf32, #tpu.memory_space<vmem_shared>> -> memref<128x128xf32, #tpu.memory_space<vmem_shared>>
      %dma_start3A_32 = arith.constant 0 : i32
      %dma_start3A_33 = tpu.memref_slice %arg7[%add3A_15, %dma_start3A_32] : memref<10240x128xf32, #tpu.memory_space<vmem_shared>> -> memref<128x128xf32, #tpu.memory_space<vmem_shared>>
      tpu.enqueue_dma source(%arg5 : memref<128x128xf32, #tpu.memory_space<vmem>>) target(%dma_start3A_33 : memref<128x128xf32, #tpu.memory_space<vmem_shared>>) target_semaphore(%run_scoped3A : memref<!tpu.dma_semaphore, #tpu.memory_space<semaphore_mem>>)
      %dma_wait3A = arith.constant 0 : i32
      %dma_wait3A_34 = tpu.memref_slice %arg7[%add3A_15, %dma_wait3A] : memref<10240x128xf32, #tpu.memory_space<vmem_shared>> -> memref<128x128xf32, #tpu.memory_space<vmem_shared>>
      %dma_wait3A_35 = arith.constant 0 : i32
      %dma_wait3A_36 = tpu.memref_slice %arg7[%add3A_15, %dma_wait3A_35] : memref<10240x128xf32, #tpu.memory_space<vmem_shared>> -> memref<128x128xf32, #tpu.memory_space<vmem_shared>>
      tpu.wait_dma2 semaphore(%run_scoped3A : memref<!tpu.dma_semaphore, #tpu.memory_space<semaphore_mem>>) src(%arg5 : memref<128x128xf32, #tpu.memory_space<vmem>>) dst(%dma_wait3A_36 : memref<128x128xf32, #tpu.memory_space<vmem_shared>>)
      tpu.yield
    }) : () -> ()
    %add3A_16 = arith.constant 512 : i32
    %add3A_17 = arith.addi %mul3A_7, %add3A_16 : i32
    "tpu.region"() ({
      %run_scoped3A = tpu.sem_alloc : memref<!tpu.dma_semaphore, #tpu.memory_space<semaphore_mem>>
      %dma_start3A = arith.constant 0 : i32
      %dma_start3A_31 = tpu.memref_slice %arg7[%add3A_17, %dma_start3A] : memref<10240x128xf32, #tpu.memory_space<vmem_shared>> -> memref<128x128xf32, #tpu.memory_space<vmem_shared>>
      %dma_start3A_32 = arith.constant 0 : i32
      %dma_start3A_33 = tpu.memref_slice %arg7[%add3A_17, %dma_start3A_32] : memref<10240x128xf32, #tpu.memory_space<vmem_shared>> -> memref<128x128xf32, #tpu.memory_space<vmem_shared>>
      tpu.enqueue_dma source(%arg5 : memref<128x128xf32, #tpu.memory_space<vmem>>) target(%dma_start3A_33 : memref<128x128xf32, #tpu.memory_space<vmem_shared>>) target_semaphore(%run_scoped3A : memref<!tpu.dma_semaphore, #tpu.memory_space<semaphore_mem>>)
      %dma_wait3A = arith.constant 0 : i32
      %dma_wait3A_34 = tpu.memref_slice %arg7[%add3A_17, %dma_wait3A] : memref<10240x128xf32, #tpu.memory_space<vmem_shared>> -> memref<128x128xf32, #tpu.memory_space<vmem_shared>>
      %dma_wait3A_35 = arith.constant 0 : i32
      %dma_wait3A_36 = tpu.memref_slice %arg7[%add3A_17, %dma_wait3A_35] : memref<10240x128xf32, #tpu.memory_space<vmem_shared>> -> memref<128x128xf32, #tpu.memory_space<vmem_shared>>
      tpu.wait_dma2 semaphore(%run_scoped3A : memref<!tpu.dma_semaphore, #tpu.memory_space<semaphore_mem>>) src(%arg5 : memref<128x128xf32, #tpu.memory_space<vmem>>) dst(%dma_wait3A_36 : memref<128x128xf32, #tpu.memory_space<vmem_shared>>)
      tpu.yield
    }) : () -> ()
    %broadcast_in_dim3A_18 = arith.constant 1.000000e+00 : f32
    %broadcast_in_dim3A_19 = vector.broadcast %broadcast_in_dim3A_18 : f32 to vector<16xf32>
    %scan3A_20 = arith.constant 0 : i32
    %scan3A_21 = arith.constant 128 : i32
    %scan3A_22 = arith.addi %scan3A_20, %scan3A_21 : i32
    %scan3A_23 = arith.constant 1 : i32
    scf.for %scan3A_31 = %scan3A_20 to %scan3A_22 step %scan3A_23  : i32 {
      %scan3A_32 = arith.constant 0 : i32
      %scan3A_33 = arith.constant 8 : i32
      %scan3A_34 = arith.addi %scan3A_32, %scan3A_33 : i32
      %scan3A_35 = arith.constant 1 : i32
      scf.for %scan3A_37 = %scan3A_32 to %scan3A_34 step %scan3A_35  : i32 {
        %mul3A_38 = arith.constant 16 : i32
        %mul3A_39 = arith.muli %scan3A_37, %mul3A_38 : i32
        %swap3A = arith.index_cast %scan3A_31 : i32 to index
        %swap3A_40 = arith.index_cast %mul3A_39 : i32 to index
        %swap3A_41 = tpu.vector_load %arg5[%swap3A, %swap3A_40] {strides = array<i32>} : memref<128x128xf32, #tpu.memory_space<vmem>>, vector<1x16xf32>,
        %swap3A_42 = vector.shape_cast %swap3A_41 : vector<1x16xf32> to vector<16xf32>
        %swap3A_43 = vector.shape_cast %broadcast_in_dim3A_19 : vector<16xf32> to vector<1x16xf32>
        tpu.vector_store %arg5[%swap3A, %swap3A_40], %swap3A_43 {strides = array<i32>} : memref<128x128xf32, #tpu.memory_space<vmem>>, vector<1x16xf32>,
      }
      %scan3A_36 = arith.constant 8 : i32
    }
    %scan3A_24 = arith.constant 128 : i32
    %barrier3A = arith.constant 0 : index
    tpu.barrier barrier_id(%barrier3A)
    %scan3A_25 = arith.constant 0 : i32
    %scan3A_26 = arith.constant 79 : i32
    %scan3A_27 = arith.addi %scan3A_25, %scan3A_26 : i32
    %scan3A_28 = arith.constant 1 : i32
    scf.for %scan3A_31 = %scan3A_25 to %scan3A_27 step %scan3A_28  : i32 {
      "tpu.region"() ({
        %run_scoped3A = tpu.sem_alloc : memref<!tpu.dma_semaphore, #tpu.memory_space<semaphore_mem>>
        %dma_start3A = arith.constant 0 : i32
        %dma_start3A_32 = tpu.memref_slice %arg4[%scan3A_31, %dma_start3A] : memref<79x128xi32, #tpu.memory_space<vmem>> -> memref<1x128xi32, #tpu.memory_space<vmem>>
        %dma_start3A_33 = tpu.memref_squeeze %dma_start3A_32 : memref<1x128xi32, #tpu.memory_space<vmem>> -> memref<128xi32, #tpu.memory_space<vmem>>
        %dma_start3A_34 = arith.constant 0 : i32
        %dma_start3A_35 = arith.constant 0 : i32
        %dma_start3A_36 = tpu.memref_slice %arg7[%dma_start3A_34, %dma_start3A_35] : memref<10240x128xf32, #tpu.memory_space<vmem_shared>> -> memref<10240x128xf32, #tpu.memory_space<vmem_shared>>
        tpu.enqueue_indirect_dma source(%arg5 : memref<128x128xf32, #tpu.memory_space<vmem>>) target(%dma_start3A_36 : memref<10240x128xf32, #tpu.memory_space<vmem_shared>>) offsets(%dma_start3A_33 : memref<128xi32, #tpu.memory_space<vmem>>) semaphore(%run_scoped3A : memref<!tpu.dma_semaphore, #tpu.memory_space<semaphore_mem>>) {add = true}
        %dma_wait3A = arith.constant 0 : i32
        %dma_wait3A_37 = tpu.memref_slice %arg4[%scan3A_31, %dma_wait3A] : memref<79x128xi32, #tpu.memory_space<vmem>> -> memref<1x128xi32, #tpu.memory_space<vmem>>
        %dma_wait3A_38 = tpu.memref_squeeze %dma_wait3A_37 : memref<1x128xi32, #tpu.memory_space<vmem>> -> memref<128xi32, #tpu.memory_space<vmem>>
        %dma_wait3A_39 = arith.constant 0 : i32
        %dma_wait3A_40 = arith.constant 0 : i32
        %dma_wait3A_41 = tpu.memref_slice %arg7[%dma_wait3A_39, %dma_wait3A_40] : memref<10240x128xf32, #tpu.memory_space<vmem_shared>> -> memref<10240x128xf32, #tpu.memory_space<vmem_shared>>
        tpu.wait_indirect_dma semaphore(%run_scoped3A : memref<!tpu.dma_semaphore, #tpu.memory_space<semaphore_mem>>) src(%arg5 : memref<128x128xf32, #tpu.memory_space<vmem>>) dst(%dma_wait3A_41 : memref<10240x128xf32, #tpu.memory_space<vmem_shared>>)
        tpu.yield
      }) : () -> ()
    }
    %scan3A_29 = arith.constant 79 : i32
    %barrier3A_30 = arith.constant 0 : index
    tpu.barrier barrier_id(%barrier3A_30)
    "tpu.region"() ({
      %run_scoped3A = tpu.sem_alloc : memref<!tpu.dma_semaphore, #tpu.memory_space<semaphore_mem>>
      %dma_start3A = arith.constant 0 : i32
      %dma_start3A_31 = tpu.memref_slice %arg3[%arg0, %mul3A_7, %dma_start3A] : memref<2x10240x128xf32, #tpu.memory_space<hbm>> -> memref<1x640x128xf32, #tpu.memory_space<hbm>>
      %dma_start3A_32 = tpu.memref_squeeze %dma_start3A_31 : memref<1x640x128xf32, #tpu.memory_space<hbm>> -> memref<640x128xf32, #tpu.memory_space<hbm>>
      %dma_start3A_33 = arith.constant 0 : i32
      %dma_start3A_34 = tpu.memref_slice %arg7[%mul3A_7, %dma_start3A_33] : memref<10240x128xf32, #tpu.memory_space<vmem_shared>> -> memref<640x128xf32, #tpu.memory_space<vmem_shared>>
      tpu.enqueue_dma source(%dma_start3A_34 : memref<640x128xf32, #tpu.memory_space<vmem_shared>>) target(%dma_start3A_32 : memref<640x128xf32, #tpu.memory_space<hbm>>) target_semaphore(%run_scoped3A : memref<!tpu.dma_semaphore, #tpu.memory_space<semaphore_mem>>)
      %dma_wait3A = arith.constant 0 : i32
      %dma_wait3A_35 = tpu.memref_slice %arg3[%arg0, %mul3A_7, %dma_wait3A] : memref<2x10240x128xf32, #tpu.memory_space<hbm>> -> memref<1x640x128xf32, #tpu.memory_space<hbm>>
      %dma_wait3A_36 = tpu.memref_squeeze %dma_wait3A_35 : memref<1x640x128xf32, #tpu.memory_space<hbm>> -> memref<640x128xf32, #tpu.memory_space<hbm>>
      %dma_wait3A_37 = arith.constant 0 : i32
      %dma_wait3A_38 = tpu.memref_slice %arg7[%mul3A_7, %dma_wait3A_37] : memref<10240x128xf32, #tpu.memory_space<vmem_shared>> -> memref<640x128xf32, #tpu.memory_space<vmem_shared>>
      tpu.wait_dma2 semaphore(%run_scoped3A : memref<!tpu.dma_semaphore, #tpu.memory_space<semaphore_mem>>) src(%dma_wait3A_38 : memref<640x128xf32, #tpu.memory_space<vmem_shared>>) dst(%dma_wait3A_36 : memref<640x128xf32, #tpu.memory_space<hbm>>)
      tpu.yield
    }) : () -> ()
    return
  }
}

#map = affine_map<(d0, d1) -> (0, 0)>
#map1 = affine_map<(d0, d1) -> (0, 0, 0)>
module attributes {stable_mosaic.version = 14 : i64} {
  func.func @_mp_body(%arg0: i32, %arg1: i32, %arg2: memref<10240x128xf32, #tpu.memory_space<hbm>>, %arg3: memref<32x79x128xi32, #tpu.memory_space<hbm>>, %arg4: memref<32x79x128xi32, #tpu.memory_space<hbm>>, %arg5: memref<2x10240x128xf32, #tpu.memory_space<hbm>>, %arg6: memref<79x128xi32, #tpu.memory_space<vmem>>, %arg7: memref<79x128xi32, #tpu.memory_space<vmem>>, %arg8: memref<128x128xf32, #tpu.memory_space<vmem>>, %arg9: memref<!tpu.dma_semaphore, #tpu.memory_space<semaphore_mem>>, %arg10: memref<10240x128xf32, #tpu.memory_space<vmem_shared>>) attributes {dimension_semantics = [#tpu.dimension_semantics<core_parallel>, #tpu.dimension_semantics<subcore_parallel>], iteration_bounds = array<i64: 2, 16>, scalar_prefetch = 0 : i64, scratch_operands = 5 : i64, tpu.core_type = #tpu.core_type<sc_vector_subcore>, window_params = [{transform_indices = #map}, {transform_indices = #map1}, {transform_indices = #map1}, {transform_indices = #map1}]} {
    %mul3A = arith.constant 2 : i32
    %mul3A_0 = arith.muli %arg1, %mul3A : i32
    %add3A = arith.addi %mul3A_0, %arg0 : i32
    "tpu.region"() ({
      %run_scoped3A = tpu.sem_alloc : memref<!tpu.dma_semaphore, #tpu.memory_space<semaphore_mem>>
      %dma_start3A = arith.constant 0 : i32
      %dma_start3A_24 = arith.constant 0 : i32
      %dma_start3A_25 = tpu.memref_slice %arg3[%add3A, %dma_start3A, %dma_start3A_24] : memref<32x79x128xi32, #tpu.memory_space<hbm>> -> memref<1x79x128xi32, #tpu.memory_space<hbm>>
      %dma_start3A_26 = tpu.memref_squeeze %dma_start3A_25 : memref<1x79x128xi32, #tpu.memory_space<hbm>> -> memref<79x128xi32, #tpu.memory_space<hbm>>
      %dma_start3A_27 = arith.constant 0 : i32
      %dma_start3A_28 = arith.constant 0 : i32
      %dma_start3A_29 = tpu.memref_slice %arg3[%add3A, %dma_start3A_27, %dma_start3A_28] : memref<32x79x128xi32, #tpu.memory_space<hbm>> -> memref<1x79x128xi32, #tpu.memory_space<hbm>>
      %dma_start3A_30 = tpu.memref_squeeze %dma_start3A_29 : memref<1x79x128xi32, #tpu.memory_space<hbm>> -> memref<79x128xi32, #tpu.memory_space<hbm>>
      tpu.enqueue_dma source(%dma_start3A_30 : memref<79x128xi32, #tpu.memory_space<hbm>>) target(%arg6 : memref<79x128xi32, #tpu.memory_space<vmem>>) target_semaphore(%run_scoped3A : memref<!tpu.dma_semaphore, #tpu.memory_space<semaphore_mem>>)
      %dma_wait3A = arith.constant 0 : i32
      %dma_wait3A_31 = arith.constant 0 : i32
      %dma_wait3A_32 = tpu.memref_slice %arg3[%add3A, %dma_wait3A, %dma_wait3A_31] : memref<32x79x128xi32, #tpu.memory_space<hbm>> -> memref<1x79x128xi32, #tpu.memory_space<hbm>>
      %dma_wait3A_33 = tpu.memref_squeeze %dma_wait3A_32 : memref<1x79x128xi32, #tpu.memory_space<hbm>> -> memref<79x128xi32, #tpu.memory_space<hbm>>
      %dma_wait3A_34 = arith.constant 0 : i32
      %dma_wait3A_35 = arith.constant 0 : i32
      %dma_wait3A_36 = tpu.memref_slice %arg3[%add3A, %dma_wait3A_34, %dma_wait3A_35] : memref<32x79x128xi32, #tpu.memory_space<hbm>> -> memref<1x79x128xi32, #tpu.memory_space<hbm>>
      %dma_wait3A_37 = tpu.memref_squeeze %dma_wait3A_36 : memref<1x79x128xi32, #tpu.memory_space<hbm>> -> memref<79x128xi32, #tpu.memory_space<hbm>>
      tpu.wait_dma2 semaphore(%run_scoped3A : memref<!tpu.dma_semaphore, #tpu.memory_space<semaphore_mem>>) src(%dma_wait3A_37 : memref<79x128xi32, #tpu.memory_space<hbm>>) dst(%arg6 : memref<79x128xi32, #tpu.memory_space<vmem>>)
      tpu.yield
    }) : () -> ()
    "tpu.region"() ({
      %run_scoped3A = tpu.sem_alloc : memref<!tpu.dma_semaphore, #tpu.memory_space<semaphore_mem>>
      %dma_start3A = arith.constant 0 : i32
      %dma_start3A_24 = arith.constant 0 : i32
      %dma_start3A_25 = tpu.memref_slice %arg4[%add3A, %dma_start3A, %dma_start3A_24] : memref<32x79x128xi32, #tpu.memory_space<hbm>> -> memref<1x79x128xi32, #tpu.memory_space<hbm>>
      %dma_start3A_26 = tpu.memref_squeeze %dma_start3A_25 : memref<1x79x128xi32, #tpu.memory_space<hbm>> -> memref<79x128xi32, #tpu.memory_space<hbm>>
      %dma_start3A_27 = arith.constant 0 : i32
      %dma_start3A_28 = arith.constant 0 : i32
      %dma_start3A_29 = tpu.memref_slice %arg4[%add3A, %dma_start3A_27, %dma_start3A_28] : memref<32x79x128xi32, #tpu.memory_space<hbm>> -> memref<1x79x128xi32, #tpu.memory_space<hbm>>
      %dma_start3A_30 = tpu.memref_squeeze %dma_start3A_29 : memref<1x79x128xi32, #tpu.memory_space<hbm>> -> memref<79x128xi32, #tpu.memory_space<hbm>>
      tpu.enqueue_dma source(%dma_start3A_30 : memref<79x128xi32, #tpu.memory_space<hbm>>) target(%arg7 : memref<79x128xi32, #tpu.memory_space<vmem>>) target_semaphore(%run_scoped3A : memref<!tpu.dma_semaphore, #tpu.memory_space<semaphore_mem>>)
      %dma_wait3A = arith.constant 0 : i32
      %dma_wait3A_31 = arith.constant 0 : i32
      %dma_wait3A_32 = tpu.memref_slice %arg4[%add3A, %dma_wait3A, %dma_wait3A_31] : memref<32x79x128xi32, #tpu.memory_space<hbm>> -> memref<1x79x128xi32, #tpu.memory_space<hbm>>
      %dma_wait3A_33 = tpu.memref_squeeze %dma_wait3A_32 : memref<1x79x128xi32, #tpu.memory_space<hbm>> -> memref<79x128xi32, #tpu.memory_space<hbm>>
      %dma_wait3A_34 = arith.constant 0 : i32
      %dma_wait3A_35 = arith.constant 0 : i32
      %dma_wait3A_36 = tpu.memref_slice %arg4[%add3A, %dma_wait3A_34, %dma_wait3A_35] : memref<32x79x128xi32, #tpu.memory_space<hbm>> -> memref<1x79x128xi32, #tpu.memory_space<hbm>>
      %dma_wait3A_37 = tpu.memref_squeeze %dma_wait3A_36 : memref<1x79x128xi32, #tpu.memory_space<hbm>> -> memref<79x128xi32, #tpu.memory_space<hbm>>
      tpu.wait_dma2 semaphore(%run_scoped3A : memref<!tpu.dma_semaphore, #tpu.memory_space<semaphore_mem>>) src(%dma_wait3A_37 : memref<79x128xi32, #tpu.memory_space<hbm>>) dst(%arg7 : memref<79x128xi32, #tpu.memory_space<vmem>>)
      tpu.yield
    }) : () -> ()
    %broadcast_in_dim3A = arith.constant 0.000000e+00 : f32
    %broadcast_in_dim3A_1 = vector.broadcast %broadcast_in_dim3A : f32 to vector<16xf32>
    %scan3A = arith.constant 0 : i32
    %scan3A_2 = arith.constant 128 : i32
    %scan3A_3 = arith.addi %scan3A, %scan3A_2 : i32
    %scan3A_4 = arith.constant 1 : i32
    scf.for %scan3A_24 = %scan3A to %scan3A_3 step %scan3A_4  : i32 {
      %scan3A_25 = arith.constant 0 : i32
      %scan3A_26 = arith.constant 8 : i32
      %scan3A_27 = arith.addi %scan3A_25, %scan3A_26 : i32
      %scan3A_28 = arith.constant 1 : i32
      scf.for %scan3A_30 = %scan3A_25 to %scan3A_27 step %scan3A_28  : i32 {
        %mul3A_31 = arith.constant 16 : i32
        %mul3A_32 = arith.muli %scan3A_30, %mul3A_31 : i32
        %swap3A = arith.index_cast %scan3A_24 : i32 to index
        %swap3A_33 = arith.index_cast %mul3A_32 : i32 to index
        %swap3A_34 = tpu.vector_load %arg8[%swap3A, %swap3A_33] {strides = array<i32>} : memref<128x128xf32, #tpu.memory_space<vmem>>, vector<1x16xf32>,
        %swap3A_35 = vector.shape_cast %swap3A_34 : vector<1x16xf32> to vector<16xf32>
        %swap3A_36 = vector.shape_cast %broadcast_in_dim3A_1 : vector<16xf32> to vector<1x16xf32>
        tpu.vector_store %arg8[%swap3A, %swap3A_33], %swap3A_36 {strides = array<i32>} : memref<128x128xf32, #tpu.memory_space<vmem>>, vector<1x16xf32>,
      }
      %scan3A_29 = arith.constant 8 : i32
    }
    %scan3A_5 = arith.constant 128 : i32
    %mul3A_6 = arith.constant 640 : i32
    %mul3A_7 = arith.muli %arg1, %mul3A_6 : i32
    %add3A_8 = arith.constant 0 : i32
    %add3A_9 = arith.addi %mul3A_7, %add3A_8 : i32
    "tpu.region"() ({
      %run_scoped3A = tpu.sem_alloc : memref<!tpu.dma_semaphore, #tpu.memory_space<semaphore_mem>>
      %dma_start3A = arith.constant 0 : i32
      %dma_start3A_24 = tpu.memref_slice %arg10[%add3A_9, %dma_start3A] : memref<10240x128xf32, #tpu.memory_space<vmem_shared>> -> memref<128x128xf32, #tpu.memory_space<vmem_shared>>
      %dma_start3A_25 = arith.constant 0 : i32
      %dma_start3A_26 = tpu.memref_slice %arg10[%add3A_9, %dma_start3A_25] : memref<10240x128xf32, #tpu.memory_space<vmem_shared>> -> memref<128x128xf32, #tpu.memory_space<vmem_shared>>
      tpu.enqueue_dma source(%arg8 : memref<128x128xf32, #tpu.memory_space<vmem>>) target(%dma_start3A_26 : memref<128x128xf32, #tpu.memory_space<vmem_shared>>) target_semaphore(%run_scoped3A : memref<!tpu.dma_semaphore, #tpu.memory_space<semaphore_mem>>)
      %dma_wait3A = arith.constant 0 : i32
      %dma_wait3A_27 = tpu.memref_slice %arg10[%add3A_9, %dma_wait3A] : memref<10240x128xf32, #tpu.memory_space<vmem_shared>> -> memref<128x128xf32, #tpu.memory_space<vmem_shared>>
      %dma_wait3A_28 = arith.constant 0 : i32
      %dma_wait3A_29 = tpu.memref_slice %arg10[%add3A_9, %dma_wait3A_28] : memref<10240x128xf32, #tpu.memory_space<vmem_shared>> -> memref<128x128xf32, #tpu.memory_space<vmem_shared>>
      tpu.wait_dma2 semaphore(%run_scoped3A : memref<!tpu.dma_semaphore, #tpu.memory_space<semaphore_mem>>) src(%arg8 : memref<128x128xf32, #tpu.memory_space<vmem>>) dst(%dma_wait3A_29 : memref<128x128xf32, #tpu.memory_space<vmem_shared>>)
      tpu.yield
    }) : () -> ()
    %add3A_10 = arith.constant 128 : i32
    %add3A_11 = arith.addi %mul3A_7, %add3A_10 : i32
    "tpu.region"() ({
      %run_scoped3A = tpu.sem_alloc : memref<!tpu.dma_semaphore, #tpu.memory_space<semaphore_mem>>
      %dma_start3A = arith.constant 0 : i32
      %dma_start3A_24 = tpu.memref_slice %arg10[%add3A_11, %dma_start3A] : memref<10240x128xf32, #tpu.memory_space<vmem_shared>> -> memref<128x128xf32, #tpu.memory_space<vmem_shared>>
      %dma_start3A_25 = arith.constant 0 : i32
      %dma_start3A_26 = tpu.memref_slice %arg10[%add3A_11, %dma_start3A_25] : memref<10240x128xf32, #tpu.memory_space<vmem_shared>> -> memref<128x128xf32, #tpu.memory_space<vmem_shared>>
      tpu.enqueue_dma source(%arg8 : memref<128x128xf32, #tpu.memory_space<vmem>>) target(%dma_start3A_26 : memref<128x128xf32, #tpu.memory_space<vmem_shared>>) target_semaphore(%run_scoped3A : memref<!tpu.dma_semaphore, #tpu.memory_space<semaphore_mem>>)
      %dma_wait3A = arith.constant 0 : i32
      %dma_wait3A_27 = tpu.memref_slice %arg10[%add3A_11, %dma_wait3A] : memref<10240x128xf32, #tpu.memory_space<vmem_shared>> -> memref<128x128xf32, #tpu.memory_space<vmem_shared>>
      %dma_wait3A_28 = arith.constant 0 : i32
      %dma_wait3A_29 = tpu.memref_slice %arg10[%add3A_11, %dma_wait3A_28] : memref<10240x128xf32, #tpu.memory_space<vmem_shared>> -> memref<128x128xf32, #tpu.memory_space<vmem_shared>>
      tpu.wait_dma2 semaphore(%run_scoped3A : memref<!tpu.dma_semaphore, #tpu.memory_space<semaphore_mem>>) src(%arg8 : memref<128x128xf32, #tpu.memory_space<vmem>>) dst(%dma_wait3A_29 : memref<128x128xf32, #tpu.memory_space<vmem_shared>>)
      tpu.yield
    }) : () -> ()
    %add3A_12 = arith.constant 256 : i32
    %add3A_13 = arith.addi %mul3A_7, %add3A_12 : i32
    "tpu.region"() ({
      %run_scoped3A = tpu.sem_alloc : memref<!tpu.dma_semaphore, #tpu.memory_space<semaphore_mem>>
      %dma_start3A = arith.constant 0 : i32
      %dma_start3A_24 = tpu.memref_slice %arg10[%add3A_13, %dma_start3A] : memref<10240x128xf32, #tpu.memory_space<vmem_shared>> -> memref<128x128xf32, #tpu.memory_space<vmem_shared>>
      %dma_start3A_25 = arith.constant 0 : i32
      %dma_start3A_26 = tpu.memref_slice %arg10[%add3A_13, %dma_start3A_25] : memref<10240x128xf32, #tpu.memory_space<vmem_shared>> -> memref<128x128xf32, #tpu.memory_space<vmem_shared>>
      tpu.enqueue_dma source(%arg8 : memref<128x128xf32, #tpu.memory_space<vmem>>) target(%dma_start3A_26 : memref<128x128xf32, #tpu.memory_space<vmem_shared>>) target_semaphore(%run_scoped3A : memref<!tpu.dma_semaphore, #tpu.memory_space<semaphore_mem>>)
      %dma_wait3A = arith.constant 0 : i32
      %dma_wait3A_27 = tpu.memref_slice %arg10[%add3A_13, %dma_wait3A] : memref<10240x128xf32, #tpu.memory_space<vmem_shared>> -> memref<128x128xf32, #tpu.memory_space<vmem_shared>>
      %dma_wait3A_28 = arith.constant 0 : i32
      %dma_wait3A_29 = tpu.memref_slice %arg10[%add3A_13, %dma_wait3A_28] : memref<10240x128xf32, #tpu.memory_space<vmem_shared>> -> memref<128x128xf32, #tpu.memory_space<vmem_shared>>
      tpu.wait_dma2 semaphore(%run_scoped3A : memref<!tpu.dma_semaphore, #tpu.memory_space<semaphore_mem>>) src(%arg8 : memref<128x128xf32, #tpu.memory_space<vmem>>) dst(%dma_wait3A_29 : memref<128x128xf32, #tpu.memory_space<vmem_shared>>)
      tpu.yield
    }) : () -> ()
    %add3A_14 = arith.constant 384 : i32
    %add3A_15 = arith.addi %mul3A_7, %add3A_14 : i32
    "tpu.region"() ({
      %run_scoped3A = tpu.sem_alloc : memref<!tpu.dma_semaphore, #tpu.memory_space<semaphore_mem>>
      %dma_start3A = arith.constant 0 : i32
      %dma_start3A_24 = tpu.memref_slice %arg10[%add3A_15, %dma_start3A] : memref<10240x128xf32, #tpu.memory_space<vmem_shared>> -> memref<128x128xf32, #tpu.memory_space<vmem_shared>>
      %dma_start3A_25 = arith.constant 0 : i32
      %dma_start3A_26 = tpu.memref_slice %arg10[%add3A_15, %dma_start3A_25] : memref<10240x128xf32, #tpu.memory_space<vmem_shared>> -> memref<128x128xf32, #tpu.memory_space<vmem_shared>>
      tpu.enqueue_dma source(%arg8 : memref<128x128xf32, #tpu.memory_space<vmem>>) target(%dma_start3A_26 : memref<128x128xf32, #tpu.memory_space<vmem_shared>>) target_semaphore(%run_scoped3A : memref<!tpu.dma_semaphore, #tpu.memory_space<semaphore_mem>>)
      %dma_wait3A = arith.constant 0 : i32
      %dma_wait3A_27 = tpu.memref_slice %arg10[%add3A_15, %dma_wait3A] : memref<10240x128xf32, #tpu.memory_space<vmem_shared>> -> memref<128x128xf32, #tpu.memory_space<vmem_shared>>
      %dma_wait3A_28 = arith.constant 0 : i32
      %dma_wait3A_29 = tpu.memref_slice %arg10[%add3A_15, %dma_wait3A_28] : memref<10240x128xf32, #tpu.memory_space<vmem_shared>> -> memref<128x128xf32, #tpu.memory_space<vmem_shared>>
      tpu.wait_dma2 semaphore(%run_scoped3A : memref<!tpu.dma_semaphore, #tpu.memory_space<semaphore_mem>>) src(%arg8 : memref<128x128xf32, #tpu.memory_space<vmem>>) dst(%dma_wait3A_29 : memref<128x128xf32, #tpu.memory_space<vmem_shared>>)
      tpu.yield
    }) : () -> ()
    %add3A_16 = arith.constant 512 : i32
    %add3A_17 = arith.addi %mul3A_7, %add3A_16 : i32
    "tpu.region"() ({
      %run_scoped3A = tpu.sem_alloc : memref<!tpu.dma_semaphore, #tpu.memory_space<semaphore_mem>>
      %dma_start3A = arith.constant 0 : i32
      %dma_start3A_24 = tpu.memref_slice %arg10[%add3A_17, %dma_start3A] : memref<10240x128xf32, #tpu.memory_space<vmem_shared>> -> memref<128x128xf32, #tpu.memory_space<vmem_shared>>
      %dma_start3A_25 = arith.constant 0 : i32
      %dma_start3A_26 = tpu.memref_slice %arg10[%add3A_17, %dma_start3A_25] : memref<10240x128xf32, #tpu.memory_space<vmem_shared>> -> memref<128x128xf32, #tpu.memory_space<vmem_shared>>
      tpu.enqueue_dma source(%arg8 : memref<128x128xf32, #tpu.memory_space<vmem>>) target(%dma_start3A_26 : memref<128x128xf32, #tpu.memory_space<vmem_shared>>) target_semaphore(%run_scoped3A : memref<!tpu.dma_semaphore, #tpu.memory_space<semaphore_mem>>)
      %dma_wait3A = arith.constant 0 : i32
      %dma_wait3A_27 = tpu.memref_slice %arg10[%add3A_17, %dma_wait3A] : memref<10240x128xf32, #tpu.memory_space<vmem_shared>> -> memref<128x128xf32, #tpu.memory_space<vmem_shared>>
      %dma_wait3A_28 = arith.constant 0 : i32
      %dma_wait3A_29 = tpu.memref_slice %arg10[%add3A_17, %dma_wait3A_28] : memref<10240x128xf32, #tpu.memory_space<vmem_shared>> -> memref<128x128xf32, #tpu.memory_space<vmem_shared>>
      tpu.wait_dma2 semaphore(%run_scoped3A : memref<!tpu.dma_semaphore, #tpu.memory_space<semaphore_mem>>) src(%arg8 : memref<128x128xf32, #tpu.memory_space<vmem>>) dst(%dma_wait3A_29 : memref<128x128xf32, #tpu.memory_space<vmem_shared>>)
      tpu.yield
    }) : () -> ()
    %barrier3A = arith.constant 0 : index
    tpu.barrier barrier_id(%barrier3A)
    %scan3A_18 = arith.constant 0 : i32
    %scan3A_19 = arith.constant 79 : i32
    %scan3A_20 = arith.addi %scan3A_18, %scan3A_19 : i32
    %scan3A_21 = arith.constant 1 : i32
    scf.for %scan3A_24 = %scan3A_18 to %scan3A_20 step %scan3A_21  : i32 {
      %dma_start3A = arith.constant 0 : i32
      %dma_start3A_25 = tpu.memref_slice %arg6[%scan3A_24, %dma_start3A] : memref<79x128xi32, #tpu.memory_space<vmem>> -> memref<1x128xi32, #tpu.memory_space<vmem>>
      %dma_start3A_26 = tpu.memref_squeeze %dma_start3A_25 : memref<1x128xi32, #tpu.memory_space<vmem>> -> memref<128xi32, #tpu.memory_space<vmem>>
      %dma_start3A_27 = arith.constant 0 : i32
      %dma_start3A_28 = arith.constant 0 : i32
      %dma_start3A_29 = tpu.memref_slice %arg2[%dma_start3A_27, %dma_start3A_28] : memref<10240x128xf32, #tpu.memory_space<hbm>> -> memref<10240x128xf32, #tpu.memory_space<hbm>>
      tpu.enqueue_indirect_dma source(%dma_start3A_29 : memref<10240x128xf32, #tpu.memory_space<hbm>>) target(%arg8 : memref<128x128xf32, #tpu.memory_space<vmem>>) offsets(%dma_start3A_26 : memref<128xi32, #tpu.memory_space<vmem>>) semaphore(%arg9 : memref<!tpu.dma_semaphore, #tpu.memory_space<semaphore_mem>>)
      %dma_wait3A = arith.constant 0 : i32
      %dma_wait3A_30 = tpu.memref_slice %arg6[%scan3A_24, %dma_wait3A] : memref<79x128xi32, #tpu.memory_space<vmem>> -> memref<1x128xi32, #tpu.memory_space<vmem>>
      %dma_wait3A_31 = tpu.memref_squeeze %dma_wait3A_30 : memref<1x128xi32, #tpu.memory_space<vmem>> -> memref<128xi32, #tpu.memory_space<vmem>>
      %dma_wait3A_32 = arith.constant 0 : i32
      %dma_wait3A_33 = arith.constant 0 : i32
      %dma_wait3A_34 = tpu.memref_slice %arg2[%dma_wait3A_32, %dma_wait3A_33] : memref<10240x128xf32, #tpu.memory_space<hbm>> -> memref<10240x128xf32, #tpu.memory_space<hbm>>
      tpu.wait_indirect_dma semaphore(%arg9 : memref<!tpu.dma_semaphore, #tpu.memory_space<semaphore_mem>>) src(%dma_wait3A_34 : memref<10240x128xf32, #tpu.memory_space<hbm>>) dst(%arg8 : memref<128x128xf32, #tpu.memory_space<vmem>>)
      "tpu.region"() ({
        %run_scoped3A = tpu.sem_alloc : memref<!tpu.dma_semaphore, #tpu.memory_space<semaphore_mem>>
        %dma_start3A_35 = arith.constant 0 : i32
        %dma_start3A_36 = tpu.memref_slice %arg7[%scan3A_24, %dma_start3A_35] : memref<79x128xi32, #tpu.memory_space<vmem>> -> memref<1x128xi32, #tpu.memory_space<vmem>>
        %dma_start3A_37 = tpu.memref_squeeze %dma_start3A_36 : memref<1x128xi32, #tpu.memory_space<vmem>> -> memref<128xi32, #tpu.memory_space<vmem>>
        %dma_start3A_38 = arith.constant 0 : i32
        %dma_start3A_39 = arith.constant 0 : i32
        %dma_start3A_40 = tpu.memref_slice %arg10[%dma_start3A_38, %dma_start3A_39] : memref<10240x128xf32, #tpu.memory_space<vmem_shared>> -> memref<10240x128xf32, #tpu.memory_space<vmem_shared>>
        tpu.enqueue_indirect_dma source(%arg8 : memref<128x128xf32, #tpu.memory_space<vmem>>) target(%dma_start3A_40 : memref<10240x128xf32, #tpu.memory_space<vmem_shared>>) offsets(%dma_start3A_37 : memref<128xi32, #tpu.memory_space<vmem>>) semaphore(%run_scoped3A : memref<!tpu.dma_semaphore, #tpu.memory_space<semaphore_mem>>) {add = true}
        %dma_wait3A_41 = arith.constant 0 : i32
        %dma_wait3A_42 = tpu.memref_slice %arg7[%scan3A_24, %dma_wait3A_41] : memref<79x128xi32, #tpu.memory_space<vmem>> -> memref<1x128xi32, #tpu.memory_space<vmem>>
        %dma_wait3A_43 = tpu.memref_squeeze %dma_wait3A_42 : memref<1x128xi32, #tpu.memory_space<vmem>> -> memref<128xi32, #tpu.memory_space<vmem>>
        %dma_wait3A_44 = arith.constant 0 : i32
        %dma_wait3A_45 = arith.constant 0 : i32
        %dma_wait3A_46 = tpu.memref_slice %arg10[%dma_wait3A_44, %dma_wait3A_45] : memref<10240x128xf32, #tpu.memory_space<vmem_shared>> -> memref<10240x128xf32, #tpu.memory_space<vmem_shared>>
        tpu.wait_indirect_dma semaphore(%run_scoped3A : memref<!tpu.dma_semaphore, #tpu.memory_space<semaphore_mem>>) src(%arg8 : memref<128x128xf32, #tpu.memory_space<vmem>>) dst(%dma_wait3A_46 : memref<10240x128xf32, #tpu.memory_space<vmem_shared>>)
        tpu.yield
      }) : () -> ()
    }
    %scan3A_22 = arith.constant 79 : i32
    %barrier3A_23 = arith.constant 0 : index
    tpu.barrier barrier_id(%barrier3A_23)
    "tpu.region"() ({
      %run_scoped3A = tpu.sem_alloc : memref<!tpu.dma_semaphore, #tpu.memory_space<semaphore_mem>>
      %dma_start3A = arith.constant 0 : i32
      %dma_start3A_24 = tpu.memref_slice %arg5[%arg0, %mul3A_7, %dma_start3A] : memref<2x10240x128xf32, #tpu.memory_space<hbm>> -> memref<1x640x128xf32, #tpu.memory_space<hbm>>
      %dma_start3A_25 = tpu.memref_squeeze %dma_start3A_24 : memref<1x640x128xf32, #tpu.memory_space<hbm>> -> memref<640x128xf32, #tpu.memory_space<hbm>>
      %dma_start3A_26 = arith.constant 0 : i32
      %dma_start3A_27 = tpu.memref_slice %arg10[%mul3A_7, %dma_start3A_26] : memref<10240x128xf32, #tpu.memory_space<vmem_shared>> -> memref<640x128xf32, #tpu.memory_space<vmem_shared>>
      tpu.enqueue_dma source(%dma_start3A_27 : memref<640x128xf32, #tpu.memory_space<vmem_shared>>) target(%dma_start3A_25 : memref<640x128xf32, #tpu.memory_space<hbm>>) target_semaphore(%run_scoped3A : memref<!tpu.dma_semaphore, #tpu.memory_space<semaphore_mem>>)
      %dma_wait3A = arith.constant 0 : i32
      %dma_wait3A_28 = tpu.memref_slice %arg5[%arg0, %mul3A_7, %dma_wait3A] : memref<2x10240x128xf32, #tpu.memory_space<hbm>> -> memref<1x640x128xf32, #tpu.memory_space<hbm>>
      %dma_wait3A_29 = tpu.memref_squeeze %dma_wait3A_28 : memref<1x640x128xf32, #tpu.memory_space<hbm>> -> memref<640x128xf32, #tpu.memory_space<hbm>>
      %dma_wait3A_30 = arith.constant 0 : i32
      %dma_wait3A_31 = tpu.memref_slice %arg10[%mul3A_7, %dma_wait3A_30] : memref<10240x128xf32, #tpu.memory_space<vmem_shared>> -> memref<640x128xf32, #tpu.memory_space<vmem_shared>>
      tpu.wait_dma2 semaphore(%run_scoped3A : memref<!tpu.dma_semaphore, #tpu.memory_space<semaphore_mem>>) src(%dma_wait3A_31 : memref<640x128xf32, #tpu.memory_space<vmem_shared>>) dst(%dma_wait3A_29 : memref<640x128xf32, #tpu.memory_space<hbm>>)
      tpu.yield
    }) : () -> ()
    return
  }
}

#map = affine_map<(d0, d1) -> (0, 0)>
#map1 = affine_map<(d0, d1) -> (0, 0, 0)>
module attributes {stable_mosaic.version = 14 : i64} {
  func.func @_mp_body(%arg0: i32, %arg1: i32, %arg2: memref<10240x128xf32, #tpu.memory_space<hbm>>, %arg3: memref<32x79x128xi32, #tpu.memory_space<hbm>>, %arg4: memref<32x79x128xi32, #tpu.memory_space<hbm>>, %arg5: memref<2x10240x128xf32, #tpu.memory_space<hbm>>, %arg6: memref<79x128xi32, #tpu.memory_space<vmem>>, %arg7: memref<79x128xi32, #tpu.memory_space<vmem>>, %arg8: memref<128x128xf32, #tpu.memory_space<vmem>>, %arg9: memref<!tpu.dma_semaphore, #tpu.memory_space<semaphore_mem>>, %arg10: memref<10240x128xf32, #tpu.memory_space<vmem_shared>>) attributes {dimension_semantics = [#tpu.dimension_semantics<core_parallel>, #tpu.dimension_semantics<subcore_parallel>], iteration_bounds = array<i64: 2, 16>, scalar_prefetch = 0 : i64, scratch_operands = 5 : i64, tpu.core_type = #tpu.core_type<sc_vector_subcore>, window_params = [{transform_indices = #map}, {transform_indices = #map1}, {transform_indices = #map1}, {transform_indices = #map1}]} {
    %mul3A = arith.constant 2 : i32
    %mul3A_0 = arith.muli %arg1, %mul3A : i32
    %add3A = arith.addi %mul3A_0, %arg0 : i32
    "tpu.region"() ({
      %run_scoped3A = tpu.sem_alloc : memref<!tpu.dma_semaphore, #tpu.memory_space<semaphore_mem>>
      %dma_start3A = arith.constant 0 : i32
      %dma_start3A_24 = arith.constant 0 : i32
      %dma_start3A_25 = tpu.memref_slice %arg3[%add3A, %dma_start3A, %dma_start3A_24] : memref<32x79x128xi32, #tpu.memory_space<hbm>> -> memref<1x79x128xi32, #tpu.memory_space<hbm>>
      %dma_start3A_26 = tpu.memref_squeeze %dma_start3A_25 : memref<1x79x128xi32, #tpu.memory_space<hbm>> -> memref<79x128xi32, #tpu.memory_space<hbm>>
      %dma_start3A_27 = arith.constant 0 : i32
      %dma_start3A_28 = arith.constant 0 : i32
      %dma_start3A_29 = tpu.memref_slice %arg3[%add3A, %dma_start3A_27, %dma_start3A_28] : memref<32x79x128xi32, #tpu.memory_space<hbm>> -> memref<1x79x128xi32, #tpu.memory_space<hbm>>
      %dma_start3A_30 = tpu.memref_squeeze %dma_start3A_29 : memref<1x79x128xi32, #tpu.memory_space<hbm>> -> memref<79x128xi32, #tpu.memory_space<hbm>>
      tpu.enqueue_dma source(%dma_start3A_30 : memref<79x128xi32, #tpu.memory_space<hbm>>) target(%arg6 : memref<79x128xi32, #tpu.memory_space<vmem>>) target_semaphore(%run_scoped3A : memref<!tpu.dma_semaphore, #tpu.memory_space<semaphore_mem>>)
      %dma_wait3A = arith.constant 0 : i32
      %dma_wait3A_31 = arith.constant 0 : i32
      %dma_wait3A_32 = tpu.memref_slice %arg3[%add3A, %dma_wait3A, %dma_wait3A_31] : memref<32x79x128xi32, #tpu.memory_space<hbm>> -> memref<1x79x128xi32, #tpu.memory_space<hbm>>
      %dma_wait3A_33 = tpu.memref_squeeze %dma_wait3A_32 : memref<1x79x128xi32, #tpu.memory_space<hbm>> -> memref<79x128xi32, #tpu.memory_space<hbm>>
      %dma_wait3A_34 = arith.constant 0 : i32
      %dma_wait3A_35 = arith.constant 0 : i32
      %dma_wait3A_36 = tpu.memref_slice %arg3[%add3A, %dma_wait3A_34, %dma_wait3A_35] : memref<32x79x128xi32, #tpu.memory_space<hbm>> -> memref<1x79x128xi32, #tpu.memory_space<hbm>>
      %dma_wait3A_37 = tpu.memref_squeeze %dma_wait3A_36 : memref<1x79x128xi32, #tpu.memory_space<hbm>> -> memref<79x128xi32, #tpu.memory_space<hbm>>
      tpu.wait_dma2 semaphore(%run_scoped3A : memref<!tpu.dma_semaphore, #tpu.memory_space<semaphore_mem>>) src(%dma_wait3A_37 : memref<79x128xi32, #tpu.memory_space<hbm>>) dst(%arg6 : memref<79x128xi32, #tpu.memory_space<vmem>>)
      tpu.yield
    }) : () -> ()
    "tpu.region"() ({
      %run_scoped3A = tpu.sem_alloc : memref<!tpu.dma_semaphore, #tpu.memory_space<semaphore_mem>>
      %dma_start3A = arith.constant 0 : i32
      %dma_start3A_24 = arith.constant 0 : i32
      %dma_start3A_25 = tpu.memref_slice %arg4[%add3A, %dma_start3A, %dma_start3A_24] : memref<32x79x128xi32, #tpu.memory_space<hbm>> -> memref<1x79x128xi32, #tpu.memory_space<hbm>>
      %dma_start3A_26 = tpu.memref_squeeze %dma_start3A_25 : memref<1x79x128xi32, #tpu.memory_space<hbm>> -> memref<79x128xi32, #tpu.memory_space<hbm>>
      %dma_start3A_27 = arith.constant 0 : i32
      %dma_start3A_28 = arith.constant 0 : i32
      %dma_start3A_29 = tpu.memref_slice %arg4[%add3A, %dma_start3A_27, %dma_start3A_28] : memref<32x79x128xi32, #tpu.memory_space<hbm>> -> memref<1x79x128xi32, #tpu.memory_space<hbm>>
      %dma_start3A_30 = tpu.memref_squeeze %dma_start3A_29 : memref<1x79x128xi32, #tpu.memory_space<hbm>> -> memref<79x128xi32, #tpu.memory_space<hbm>>
      tpu.enqueue_dma source(%dma_start3A_30 : memref<79x128xi32, #tpu.memory_space<hbm>>) target(%arg7 : memref<79x128xi32, #tpu.memory_space<vmem>>) target_semaphore(%run_scoped3A : memref<!tpu.dma_semaphore, #tpu.memory_space<semaphore_mem>>)
      %dma_wait3A = arith.constant 0 : i32
      %dma_wait3A_31 = arith.constant 0 : i32
      %dma_wait3A_32 = tpu.memref_slice %arg4[%add3A, %dma_wait3A, %dma_wait3A_31] : memref<32x79x128xi32, #tpu.memory_space<hbm>> -> memref<1x79x128xi32, #tpu.memory_space<hbm>>
      %dma_wait3A_33 = tpu.memref_squeeze %dma_wait3A_32 : memref<1x79x128xi32, #tpu.memory_space<hbm>> -> memref<79x128xi32, #tpu.memory_space<hbm>>
      %dma_wait3A_34 = arith.constant 0 : i32
      %dma_wait3A_35 = arith.constant 0 : i32
      %dma_wait3A_36 = tpu.memref_slice %arg4[%add3A, %dma_wait3A_34, %dma_wait3A_35] : memref<32x79x128xi32, #tpu.memory_space<hbm>> -> memref<1x79x128xi32, #tpu.memory_space<hbm>>
      %dma_wait3A_37 = tpu.memref_squeeze %dma_wait3A_36 : memref<1x79x128xi32, #tpu.memory_space<hbm>> -> memref<79x128xi32, #tpu.memory_space<hbm>>
      tpu.wait_dma2 semaphore(%run_scoped3A : memref<!tpu.dma_semaphore, #tpu.memory_space<semaphore_mem>>) src(%dma_wait3A_37 : memref<79x128xi32, #tpu.memory_space<hbm>>) dst(%arg7 : memref<79x128xi32, #tpu.memory_space<vmem>>)
      tpu.yield
    }) : () -> ()
    %broadcast_in_dim3A = arith.constant 0.000000e+00 : f32
    %broadcast_in_dim3A_1 = vector.broadcast %broadcast_in_dim3A : f32 to vector<16xf32>
    %scan3A = arith.constant 0 : i32
    %scan3A_2 = arith.constant 128 : i32
    %scan3A_3 = arith.addi %scan3A, %scan3A_2 : i32
    %scan3A_4 = arith.constant 1 : i32
    scf.for %scan3A_24 = %scan3A to %scan3A_3 step %scan3A_4  : i32 {
      %scan3A_25 = arith.constant 0 : i32
      %scan3A_26 = arith.constant 8 : i32
      %scan3A_27 = arith.addi %scan3A_25, %scan3A_26 : i32
      %scan3A_28 = arith.constant 1 : i32
      scf.for %scan3A_30 = %scan3A_25 to %scan3A_27 step %scan3A_28  : i32 {
        %mul3A_31 = arith.constant 16 : i32
        %mul3A_32 = arith.muli %scan3A_30, %mul3A_31 : i32
        %swap3A = arith.index_cast %scan3A_24 : i32 to index
        %swap3A_33 = arith.index_cast %mul3A_32 : i32 to index
        %swap3A_34 = tpu.vector_load %arg8[%swap3A, %swap3A_33] {strides = array<i32>} : memref<128x128xf32, #tpu.memory_space<vmem>>, vector<1x16xf32>,
        %swap3A_35 = vector.shape_cast %swap3A_34 : vector<1x16xf32> to vector<16xf32>
        %swap3A_36 = vector.shape_cast %broadcast_in_dim3A_1 : vector<16xf32> to vector<1x16xf32>
        tpu.vector_store %arg8[%swap3A, %swap3A_33], %swap3A_36 {strides = array<i32>} : memref<128x128xf32, #tpu.memory_space<vmem>>, vector<1x16xf32>,
      }
      %scan3A_29 = arith.constant 8 : i32
    }
    %scan3A_5 = arith.constant 128 : i32
    %mul3A_6 = arith.constant 640 : i32
    %mul3A_7 = arith.muli %arg1, %mul3A_6 : i32
    %add3A_8 = arith.constant 0 : i32
    %add3A_9 = arith.addi %mul3A_7, %add3A_8 : i32
    "tpu.region"() ({
      %run_scoped3A = tpu.sem_alloc : memref<!tpu.dma_semaphore, #tpu.memory_space<semaphore_mem>>
      %dma_start3A = arith.constant 0 : i32
      %dma_start3A_24 = tpu.memref_slice %arg10[%add3A_9, %dma_start3A] : memref<10240x128xf32, #tpu.memory_space<vmem_shared>> -> memref<128x128xf32, #tpu.memory_space<vmem_shared>>
      %dma_start3A_25 = arith.constant 0 : i32
      %dma_start3A_26 = tpu.memref_slice %arg10[%add3A_9, %dma_start3A_25] : memref<10240x128xf32, #tpu.memory_space<vmem_shared>> -> memref<128x128xf32, #tpu.memory_space<vmem_shared>>
      tpu.enqueue_dma source(%arg8 : memref<128x128xf32, #tpu.memory_space<vmem>>) target(%dma_start3A_26 : memref<128x128xf32, #tpu.memory_space<vmem_shared>>) target_semaphore(%run_scoped3A : memref<!tpu.dma_semaphore, #tpu.memory_space<semaphore_mem>>)
      %dma_wait3A = arith.constant 0 : i32
      %dma_wait3A_27 = tpu.memref_slice %arg10[%add3A_9, %dma_wait3A] : memref<10240x128xf32, #tpu.memory_space<vmem_shared>> -> memref<128x128xf32, #tpu.memory_space<vmem_shared>>
      %dma_wait3A_28 = arith.constant 0 : i32
      %dma_wait3A_29 = tpu.memref_slice %arg10[%add3A_9, %dma_wait3A_28] : memref<10240x128xf32, #tpu.memory_space<vmem_shared>> -> memref<128x128xf32, #tpu.memory_space<vmem_shared>>
      tpu.wait_dma2 semaphore(%run_scoped3A : memref<!tpu.dma_semaphore, #tpu.memory_space<semaphore_mem>>) src(%arg8 : memref<128x128xf32, #tpu.memory_space<vmem>>) dst(%dma_wait3A_29 : memref<128x128xf32, #tpu.memory_space<vmem_shared>>)
      tpu.yield
    }) : () -> ()
    %add3A_10 = arith.constant 128 : i32
    %add3A_11 = arith.addi %mul3A_7, %add3A_10 : i32
    "tpu.region"() ({
      %run_scoped3A = tpu.sem_alloc : memref<!tpu.dma_semaphore, #tpu.memory_space<semaphore_mem>>
      %dma_start3A = arith.constant 0 : i32
      %dma_start3A_24 = tpu.memref_slice %arg10[%add3A_11, %dma_start3A] : memref<10240x128xf32, #tpu.memory_space<vmem_shared>> -> memref<128x128xf32, #tpu.memory_space<vmem_shared>>
      %dma_start3A_25 = arith.constant 0 : i32
      %dma_start3A_26 = tpu.memref_slice %arg10[%add3A_11, %dma_start3A_25] : memref<10240x128xf32, #tpu.memory_space<vmem_shared>> -> memref<128x128xf32, #tpu.memory_space<vmem_shared>>
      tpu.enqueue_dma source(%arg8 : memref<128x128xf32, #tpu.memory_space<vmem>>) target(%dma_start3A_26 : memref<128x128xf32, #tpu.memory_space<vmem_shared>>) target_semaphore(%run_scoped3A : memref<!tpu.dma_semaphore, #tpu.memory_space<semaphore_mem>>)
      %dma_wait3A = arith.constant 0 : i32
      %dma_wait3A_27 = tpu.memref_slice %arg10[%add3A_11, %dma_wait3A] : memref<10240x128xf32, #tpu.memory_space<vmem_shared>> -> memref<128x128xf32, #tpu.memory_space<vmem_shared>>
      %dma_wait3A_28 = arith.constant 0 : i32
      %dma_wait3A_29 = tpu.memref_slice %arg10[%add3A_11, %dma_wait3A_28] : memref<10240x128xf32, #tpu.memory_space<vmem_shared>> -> memref<128x128xf32, #tpu.memory_space<vmem_shared>>
      tpu.wait_dma2 semaphore(%run_scoped3A : memref<!tpu.dma_semaphore, #tpu.memory_space<semaphore_mem>>) src(%arg8 : memref<128x128xf32, #tpu.memory_space<vmem>>) dst(%dma_wait3A_29 : memref<128x128xf32, #tpu.memory_space<vmem_shared>>)
      tpu.yield
    }) : () -> ()
    %add3A_12 = arith.constant 256 : i32
    %add3A_13 = arith.addi %mul3A_7, %add3A_12 : i32
    "tpu.region"() ({
      %run_scoped3A = tpu.sem_alloc : memref<!tpu.dma_semaphore, #tpu.memory_space<semaphore_mem>>
      %dma_start3A = arith.constant 0 : i32
      %dma_start3A_24 = tpu.memref_slice %arg10[%add3A_13, %dma_start3A] : memref<10240x128xf32, #tpu.memory_space<vmem_shared>> -> memref<128x128xf32, #tpu.memory_space<vmem_shared>>
      %dma_start3A_25 = arith.constant 0 : i32
      %dma_start3A_26 = tpu.memref_slice %arg10[%add3A_13, %dma_start3A_25] : memref<10240x128xf32, #tpu.memory_space<vmem_shared>> -> memref<128x128xf32, #tpu.memory_space<vmem_shared>>
      tpu.enqueue_dma source(%arg8 : memref<128x128xf32, #tpu.memory_space<vmem>>) target(%dma_start3A_26 : memref<128x128xf32, #tpu.memory_space<vmem_shared>>) target_semaphore(%run_scoped3A : memref<!tpu.dma_semaphore, #tpu.memory_space<semaphore_mem>>)
      %dma_wait3A = arith.constant 0 : i32
      %dma_wait3A_27 = tpu.memref_slice %arg10[%add3A_13, %dma_wait3A] : memref<10240x128xf32, #tpu.memory_space<vmem_shared>> -> memref<128x128xf32, #tpu.memory_space<vmem_shared>>
      %dma_wait3A_28 = arith.constant 0 : i32
      %dma_wait3A_29 = tpu.memref_slice %arg10[%add3A_13, %dma_wait3A_28] : memref<10240x128xf32, #tpu.memory_space<vmem_shared>> -> memref<128x128xf32, #tpu.memory_space<vmem_shared>>
      tpu.wait_dma2 semaphore(%run_scoped3A : memref<!tpu.dma_semaphore, #tpu.memory_space<semaphore_mem>>) src(%arg8 : memref<128x128xf32, #tpu.memory_space<vmem>>) dst(%dma_wait3A_29 : memref<128x128xf32, #tpu.memory_space<vmem_shared>>)
      tpu.yield
    }) : () -> ()
    %add3A_14 = arith.constant 384 : i32
    %add3A_15 = arith.addi %mul3A_7, %add3A_14 : i32
    "tpu.region"() ({
      %run_scoped3A = tpu.sem_alloc : memref<!tpu.dma_semaphore, #tpu.memory_space<semaphore_mem>>
      %dma_start3A = arith.constant 0 : i32
      %dma_start3A_24 = tpu.memref_slice %arg10[%add3A_15, %dma_start3A] : memref<10240x128xf32, #tpu.memory_space<vmem_shared>> -> memref<128x128xf32, #tpu.memory_space<vmem_shared>>
      %dma_start3A_25 = arith.constant 0 : i32
      %dma_start3A_26 = tpu.memref_slice %arg10[%add3A_15, %dma_start3A_25] : memref<10240x128xf32, #tpu.memory_space<vmem_shared>> -> memref<128x128xf32, #tpu.memory_space<vmem_shared>>
      tpu.enqueue_dma source(%arg8 : memref<128x128xf32, #tpu.memory_space<vmem>>) target(%dma_start3A_26 : memref<128x128xf32, #tpu.memory_space<vmem_shared>>) target_semaphore(%run_scoped3A : memref<!tpu.dma_semaphore, #tpu.memory_space<semaphore_mem>>)
      %dma_wait3A = arith.constant 0 : i32
      %dma_wait3A_27 = tpu.memref_slice %arg10[%add3A_15, %dma_wait3A] : memref<10240x128xf32, #tpu.memory_space<vmem_shared>> -> memref<128x128xf32, #tpu.memory_space<vmem_shared>>
      %dma_wait3A_28 = arith.constant 0 : i32
      %dma_wait3A_29 = tpu.memref_slice %arg10[%add3A_15, %dma_wait3A_28] : memref<10240x128xf32, #tpu.memory_space<vmem_shared>> -> memref<128x128xf32, #tpu.memory_space<vmem_shared>>
      tpu.wait_dma2 semaphore(%run_scoped3A : memref<!tpu.dma_semaphore, #tpu.memory_space<semaphore_mem>>) src(%arg8 : memref<128x128xf32, #tpu.memory_space<vmem>>) dst(%dma_wait3A_29 : memref<128x128xf32, #tpu.memory_space<vmem_shared>>)
      tpu.yield
    }) : () -> ()
    %add3A_16 = arith.constant 512 : i32
    %add3A_17 = arith.addi %mul3A_7, %add3A_16 : i32
    "tpu.region"() ({
      %run_scoped3A = tpu.sem_alloc : memref<!tpu.dma_semaphore, #tpu.memory_space<semaphore_mem>>
      %dma_start3A = arith.constant 0 : i32
      %dma_start3A_24 = tpu.memref_slice %arg10[%add3A_17, %dma_start3A] : memref<10240x128xf32, #tpu.memory_space<vmem_shared>> -> memref<128x128xf32, #tpu.memory_space<vmem_shared>>
      %dma_start3A_25 = arith.constant 0 : i32
      %dma_start3A_26 = tpu.memref_slice %arg10[%add3A_17, %dma_start3A_25] : memref<10240x128xf32, #tpu.memory_space<vmem_shared>> -> memref<128x128xf32, #tpu.memory_space<vmem_shared>>
      tpu.enqueue_dma source(%arg8 : memref<128x128xf32, #tpu.memory_space<vmem>>) target(%dma_start3A_26 : memref<128x128xf32, #tpu.memory_space<vmem_shared>>) target_semaphore(%run_scoped3A : memref<!tpu.dma_semaphore, #tpu.memory_space<semaphore_mem>>)
      %dma_wait3A = arith.constant 0 : i32
      %dma_wait3A_27 = tpu.memref_slice %arg10[%add3A_17, %dma_wait3A] : memref<10240x128xf32, #tpu.memory_space<vmem_shared>> -> memref<128x128xf32, #tpu.memory_space<vmem_shared>>
      %dma_wait3A_28 = arith.constant 0 : i32
      %dma_wait3A_29 = tpu.memref_slice %arg10[%add3A_17, %dma_wait3A_28] : memref<10240x128xf32, #tpu.memory_space<vmem_shared>> -> memref<128x128xf32, #tpu.memory_space<vmem_shared>>
      tpu.wait_dma2 semaphore(%run_scoped3A : memref<!tpu.dma_semaphore, #tpu.memory_space<semaphore_mem>>) src(%arg8 : memref<128x128xf32, #tpu.memory_space<vmem>>) dst(%dma_wait3A_29 : memref<128x128xf32, #tpu.memory_space<vmem_shared>>)
      tpu.yield
    }) : () -> ()
    %barrier3A = arith.constant 0 : index
    tpu.barrier barrier_id(%barrier3A)
    %scan3A_18 = arith.constant 0 : i32
    %scan3A_19 = arith.constant 79 : i32
    %scan3A_20 = arith.addi %scan3A_18, %scan3A_19 : i32
    %scan3A_21 = arith.constant 1 : i32
    scf.for %scan3A_24 = %scan3A_18 to %scan3A_20 step %scan3A_21  : i32 {
      %dma_start3A = arith.constant 0 : i32
      %dma_start3A_25 = tpu.memref_slice %arg6[%scan3A_24, %dma_start3A] : memref<79x128xi32, #tpu.memory_space<vmem>> -> memref<1x128xi32, #tpu.memory_space<vmem>>
      %dma_start3A_26 = tpu.memref_squeeze %dma_start3A_25 : memref<1x128xi32, #tpu.memory_space<vmem>> -> memref<128xi32, #tpu.memory_space<vmem>>
      %dma_start3A_27 = arith.constant 0 : i32
      %dma_start3A_28 = arith.constant 0 : i32
      %dma_start3A_29 = tpu.memref_slice %arg2[%dma_start3A_27, %dma_start3A_28] : memref<10240x128xf32, #tpu.memory_space<hbm>> -> memref<10240x128xf32, #tpu.memory_space<hbm>>
      tpu.enqueue_indirect_dma source(%dma_start3A_29 : memref<10240x128xf32, #tpu.memory_space<hbm>>) target(%arg8 : memref<128x128xf32, #tpu.memory_space<vmem>>) offsets(%dma_start3A_26 : memref<128xi32, #tpu.memory_space<vmem>>) semaphore(%arg9 : memref<!tpu.dma_semaphore, #tpu.memory_space<semaphore_mem>>)
      %dma_wait3A = arith.constant 0 : i32
      %dma_wait3A_30 = tpu.memref_slice %arg6[%scan3A_24, %dma_wait3A] : memref<79x128xi32, #tpu.memory_space<vmem>> -> memref<1x128xi32, #tpu.memory_space<vmem>>
      %dma_wait3A_31 = tpu.memref_squeeze %dma_wait3A_30 : memref<1x128xi32, #tpu.memory_space<vmem>> -> memref<128xi32, #tpu.memory_space<vmem>>
      %dma_wait3A_32 = arith.constant 0 : i32
      %dma_wait3A_33 = arith.constant 0 : i32
      %dma_wait3A_34 = tpu.memref_slice %arg2[%dma_wait3A_32, %dma_wait3A_33] : memref<10240x128xf32, #tpu.memory_space<hbm>> -> memref<10240x128xf32, #tpu.memory_space<hbm>>
      tpu.wait_indirect_dma semaphore(%arg9 : memref<!tpu.dma_semaphore, #tpu.memory_space<semaphore_mem>>) src(%dma_wait3A_34 : memref<10240x128xf32, #tpu.memory_space<hbm>>) dst(%arg8 : memref<128x128xf32, #tpu.memory_space<vmem>>)
      "tpu.region"() ({
        %run_scoped3A = tpu.sem_alloc : memref<!tpu.dma_semaphore, #tpu.memory_space<semaphore_mem>>
        %dma_start3A_35 = arith.constant 0 : i32
        %dma_start3A_36 = tpu.memref_slice %arg7[%scan3A_24, %dma_start3A_35] : memref<79x128xi32, #tpu.memory_space<vmem>> -> memref<1x128xi32, #tpu.memory_space<vmem>>
        %dma_start3A_37 = tpu.memref_squeeze %dma_start3A_36 : memref<1x128xi32, #tpu.memory_space<vmem>> -> memref<128xi32, #tpu.memory_space<vmem>>
        %dma_start3A_38 = arith.constant 0 : i32
        %dma_start3A_39 = arith.constant 0 : i32
        %dma_start3A_40 = tpu.memref_slice %arg10[%dma_start3A_38, %dma_start3A_39] : memref<10240x128xf32, #tpu.memory_space<vmem_shared>> -> memref<10240x128xf32, #tpu.memory_space<vmem_shared>>
        tpu.enqueue_indirect_dma source(%arg8 : memref<128x128xf32, #tpu.memory_space<vmem>>) target(%dma_start3A_40 : memref<10240x128xf32, #tpu.memory_space<vmem_shared>>) offsets(%dma_start3A_37 : memref<128xi32, #tpu.memory_space<vmem>>) semaphore(%run_scoped3A : memref<!tpu.dma_semaphore, #tpu.memory_space<semaphore_mem>>) {add = true}
        %dma_wait3A_41 = arith.constant 0 : i32
        %dma_wait3A_42 = tpu.memref_slice %arg7[%scan3A_24, %dma_wait3A_41] : memref<79x128xi32, #tpu.memory_space<vmem>> -> memref<1x128xi32, #tpu.memory_space<vmem>>
        %dma_wait3A_43 = tpu.memref_squeeze %dma_wait3A_42 : memref<1x128xi32, #tpu.memory_space<vmem>> -> memref<128xi32, #tpu.memory_space<vmem>>
        %dma_wait3A_44 = arith.constant 0 : i32
        %dma_wait3A_45 = arith.constant 0 : i32
        %dma_wait3A_46 = tpu.memref_slice %arg10[%dma_wait3A_44, %dma_wait3A_45] : memref<10240x128xf32, #tpu.memory_space<vmem_shared>> -> memref<10240x128xf32, #tpu.memory_space<vmem_shared>>
        tpu.wait_indirect_dma semaphore(%run_scoped3A : memref<!tpu.dma_semaphore, #tpu.memory_space<semaphore_mem>>) src(%arg8 : memref<128x128xf32, #tpu.memory_space<vmem>>) dst(%dma_wait3A_46 : memref<10240x128xf32, #tpu.memory_space<vmem_shared>>)
        tpu.yield
      }) : () -> ()
    }
    %scan3A_22 = arith.constant 79 : i32
    %barrier3A_23 = arith.constant 0 : index
    tpu.barrier barrier_id(%barrier3A_23)
    "tpu.region"() ({
      %run_scoped3A = tpu.sem_alloc : memref<!tpu.dma_semaphore, #tpu.memory_space<semaphore_mem>>
      %dma_start3A = arith.constant 0 : i32
      %dma_start3A_24 = tpu.memref_slice %arg5[%arg0, %mul3A_7, %dma_start3A] : memref<2x10240x128xf32, #tpu.memory_space<hbm>> -> memref<1x640x128xf32, #tpu.memory_space<hbm>>
      %dma_start3A_25 = tpu.memref_squeeze %dma_start3A_24 : memref<1x640x128xf32, #tpu.memory_space<hbm>> -> memref<640x128xf32, #tpu.memory_space<hbm>>
      %dma_start3A_26 = arith.constant 0 : i32
      %dma_start3A_27 = tpu.memref_slice %arg10[%mul3A_7, %dma_start3A_26] : memref<10240x128xf32, #tpu.memory_space<vmem_shared>> -> memref<640x128xf32, #tpu.memory_space<vmem_shared>>
      tpu.enqueue_dma source(%dma_start3A_27 : memref<640x128xf32, #tpu.memory_space<vmem_shared>>) target(%dma_start3A_25 : memref<640x128xf32, #tpu.memory_space<hbm>>) target_semaphore(%run_scoped3A : memref<!tpu.dma_semaphore, #tpu.memory_space<semaphore_mem>>)
      %dma_wait3A = arith.constant 0 : i32
      %dma_wait3A_28 = tpu.memref_slice %arg5[%arg0, %mul3A_7, %dma_wait3A] : memref<2x10240x128xf32, #tpu.memory_space<hbm>> -> memref<1x640x128xf32, #tpu.memory_space<hbm>>
      %dma_wait3A_29 = tpu.memref_squeeze %dma_wait3A_28 : memref<1x640x128xf32, #tpu.memory_space<hbm>> -> memref<640x128xf32, #tpu.memory_space<hbm>>
      %dma_wait3A_30 = arith.constant 0 : i32
      %dma_wait3A_31 = tpu.memref_slice %arg10[%mul3A_7, %dma_wait3A_30] : memref<10240x128xf32, #tpu.memory_space<vmem_shared>> -> memref<640x128xf32, #tpu.memory_space<vmem_shared>>
      tpu.wait_dma2 semaphore(%run_scoped3A : memref<!tpu.dma_semaphore, #tpu.memory_space<semaphore_mem>>) src(%dma_wait3A_31 : memref<640x128xf32, #tpu.memory_space<vmem_shared>>) dst(%dma_wait3A_29 : memref<640x128xf32, #tpu.memory_space<hbm>>)
      tpu.yield
    }) : () -> ()
    return
  }
}

#map = affine_map<(d0, d1) -> (0, 0)>
#map1 = affine_map<(d0, d1) -> (0, 0, 0)>
module attributes {stable_mosaic.version = 14 : i64} {
  func.func @_mp_body(%arg0: i32, %arg1: i32, %arg2: memref<10240x128xf32, #tpu.memory_space<hbm>>, %arg3: memref<32x79x128xi32, #tpu.memory_space<hbm>>, %arg4: memref<32x79x128xi32, #tpu.memory_space<hbm>>, %arg5: memref<2x10240x128xf32, #tpu.memory_space<hbm>>, %arg6: memref<79x128xi32, #tpu.memory_space<vmem>>, %arg7: memref<79x128xi32, #tpu.memory_space<vmem>>, %arg8: memref<128x128xf32, #tpu.memory_space<vmem>>, %arg9: memref<!tpu.dma_semaphore, #tpu.memory_space<semaphore_mem>>, %arg10: memref<10240x128xf32, #tpu.memory_space<vmem_shared>>) attributes {dimension_semantics = [#tpu.dimension_semantics<core_parallel>, #tpu.dimension_semantics<subcore_parallel>], iteration_bounds = array<i64: 2, 16>, scalar_prefetch = 0 : i64, scratch_operands = 5 : i64, tpu.core_type = #tpu.core_type<sc_vector_subcore>, window_params = [{transform_indices = #map}, {transform_indices = #map1}, {transform_indices = #map1}, {transform_indices = #map1}]} {
    %mul3A = arith.constant 2 : i32
    %mul3A_0 = arith.muli %arg1, %mul3A : i32
    %add3A = arith.addi %mul3A_0, %arg0 : i32
    "tpu.region"() ({
      %run_scoped3A = tpu.sem_alloc : memref<!tpu.dma_semaphore, #tpu.memory_space<semaphore_mem>>
      %dma_start3A = arith.constant 0 : i32
      %dma_start3A_24 = arith.constant 0 : i32
      %dma_start3A_25 = tpu.memref_slice %arg3[%add3A, %dma_start3A, %dma_start3A_24] : memref<32x79x128xi32, #tpu.memory_space<hbm>> -> memref<1x79x128xi32, #tpu.memory_space<hbm>>
      %dma_start3A_26 = tpu.memref_squeeze %dma_start3A_25 : memref<1x79x128xi32, #tpu.memory_space<hbm>> -> memref<79x128xi32, #tpu.memory_space<hbm>>
      %dma_start3A_27 = arith.constant 0 : i32
      %dma_start3A_28 = arith.constant 0 : i32
      %dma_start3A_29 = tpu.memref_slice %arg3[%add3A, %dma_start3A_27, %dma_start3A_28] : memref<32x79x128xi32, #tpu.memory_space<hbm>> -> memref<1x79x128xi32, #tpu.memory_space<hbm>>
      %dma_start3A_30 = tpu.memref_squeeze %dma_start3A_29 : memref<1x79x128xi32, #tpu.memory_space<hbm>> -> memref<79x128xi32, #tpu.memory_space<hbm>>
      tpu.enqueue_dma source(%dma_start3A_30 : memref<79x128xi32, #tpu.memory_space<hbm>>) target(%arg6 : memref<79x128xi32, #tpu.memory_space<vmem>>) target_semaphore(%run_scoped3A : memref<!tpu.dma_semaphore, #tpu.memory_space<semaphore_mem>>)
      %dma_wait3A = arith.constant 0 : i32
      %dma_wait3A_31 = arith.constant 0 : i32
      %dma_wait3A_32 = tpu.memref_slice %arg3[%add3A, %dma_wait3A, %dma_wait3A_31] : memref<32x79x128xi32, #tpu.memory_space<hbm>> -> memref<1x79x128xi32, #tpu.memory_space<hbm>>
      %dma_wait3A_33 = tpu.memref_squeeze %dma_wait3A_32 : memref<1x79x128xi32, #tpu.memory_space<hbm>> -> memref<79x128xi32, #tpu.memory_space<hbm>>
      %dma_wait3A_34 = arith.constant 0 : i32
      %dma_wait3A_35 = arith.constant 0 : i32
      %dma_wait3A_36 = tpu.memref_slice %arg3[%add3A, %dma_wait3A_34, %dma_wait3A_35] : memref<32x79x128xi32, #tpu.memory_space<hbm>> -> memref<1x79x128xi32, #tpu.memory_space<hbm>>
      %dma_wait3A_37 = tpu.memref_squeeze %dma_wait3A_36 : memref<1x79x128xi32, #tpu.memory_space<hbm>> -> memref<79x128xi32, #tpu.memory_space<hbm>>
      tpu.wait_dma2 semaphore(%run_scoped3A : memref<!tpu.dma_semaphore, #tpu.memory_space<semaphore_mem>>) src(%dma_wait3A_37 : memref<79x128xi32, #tpu.memory_space<hbm>>) dst(%arg6 : memref<79x128xi32, #tpu.memory_space<vmem>>)
      tpu.yield
    }) : () -> ()
    "tpu.region"() ({
      %run_scoped3A = tpu.sem_alloc : memref<!tpu.dma_semaphore, #tpu.memory_space<semaphore_mem>>
      %dma_start3A = arith.constant 0 : i32
      %dma_start3A_24 = arith.constant 0 : i32
      %dma_start3A_25 = tpu.memref_slice %arg4[%add3A, %dma_start3A, %dma_start3A_24] : memref<32x79x128xi32, #tpu.memory_space<hbm>> -> memref<1x79x128xi32, #tpu.memory_space<hbm>>
      %dma_start3A_26 = tpu.memref_squeeze %dma_start3A_25 : memref<1x79x128xi32, #tpu.memory_space<hbm>> -> memref<79x128xi32, #tpu.memory_space<hbm>>
      %dma_start3A_27 = arith.constant 0 : i32
      %dma_start3A_28 = arith.constant 0 : i32
      %dma_start3A_29 = tpu.memref_slice %arg4[%add3A, %dma_start3A_27, %dma_start3A_28] : memref<32x79x128xi32, #tpu.memory_space<hbm>> -> memref<1x79x128xi32, #tpu.memory_space<hbm>>
      %dma_start3A_30 = tpu.memref_squeeze %dma_start3A_29 : memref<1x79x128xi32, #tpu.memory_space<hbm>> -> memref<79x128xi32, #tpu.memory_space<hbm>>
      tpu.enqueue_dma source(%dma_start3A_30 : memref<79x128xi32, #tpu.memory_space<hbm>>) target(%arg7 : memref<79x128xi32, #tpu.memory_space<vmem>>) target_semaphore(%run_scoped3A : memref<!tpu.dma_semaphore, #tpu.memory_space<semaphore_mem>>)
      %dma_wait3A = arith.constant 0 : i32
      %dma_wait3A_31 = arith.constant 0 : i32
      %dma_wait3A_32 = tpu.memref_slice %arg4[%add3A, %dma_wait3A, %dma_wait3A_31] : memref<32x79x128xi32, #tpu.memory_space<hbm>> -> memref<1x79x128xi32, #tpu.memory_space<hbm>>
      %dma_wait3A_33 = tpu.memref_squeeze %dma_wait3A_32 : memref<1x79x128xi32, #tpu.memory_space<hbm>> -> memref<79x128xi32, #tpu.memory_space<hbm>>
      %dma_wait3A_34 = arith.constant 0 : i32
      %dma_wait3A_35 = arith.constant 0 : i32
      %dma_wait3A_36 = tpu.memref_slice %arg4[%add3A, %dma_wait3A_34, %dma_wait3A_35] : memref<32x79x128xi32, #tpu.memory_space<hbm>> -> memref<1x79x128xi32, #tpu.memory_space<hbm>>
      %dma_wait3A_37 = tpu.memref_squeeze %dma_wait3A_36 : memref<1x79x128xi32, #tpu.memory_space<hbm>> -> memref<79x128xi32, #tpu.memory_space<hbm>>
      tpu.wait_dma2 semaphore(%run_scoped3A : memref<!tpu.dma_semaphore, #tpu.memory_space<semaphore_mem>>) src(%dma_wait3A_37 : memref<79x128xi32, #tpu.memory_space<hbm>>) dst(%arg7 : memref<79x128xi32, #tpu.memory_space<vmem>>)
      tpu.yield
    }) : () -> ()
    %broadcast_in_dim3A = arith.constant 0.000000e+00 : f32
    %broadcast_in_dim3A_1 = vector.broadcast %broadcast_in_dim3A : f32 to vector<16xf32>
    %scan3A = arith.constant 0 : i32
    %scan3A_2 = arith.constant 128 : i32
    %scan3A_3 = arith.addi %scan3A, %scan3A_2 : i32
    %scan3A_4 = arith.constant 1 : i32
    scf.for %scan3A_24 = %scan3A to %scan3A_3 step %scan3A_4  : i32 {
      %scan3A_25 = arith.constant 0 : i32
      %scan3A_26 = arith.constant 8 : i32
      %scan3A_27 = arith.addi %scan3A_25, %scan3A_26 : i32
      %scan3A_28 = arith.constant 1 : i32
      scf.for %scan3A_30 = %scan3A_25 to %scan3A_27 step %scan3A_28  : i32 {
        %mul3A_31 = arith.constant 16 : i32
        %mul3A_32 = arith.muli %scan3A_30, %mul3A_31 : i32
        %swap3A = arith.index_cast %scan3A_24 : i32 to index
        %swap3A_33 = arith.index_cast %mul3A_32 : i32 to index
        %swap3A_34 = tpu.vector_load %arg8[%swap3A, %swap3A_33] {strides = array<i32>} : memref<128x128xf32, #tpu.memory_space<vmem>>, vector<1x16xf32>,
        %swap3A_35 = vector.shape_cast %swap3A_34 : vector<1x16xf32> to vector<16xf32>
        %swap3A_36 = vector.shape_cast %broadcast_in_dim3A_1 : vector<16xf32> to vector<1x16xf32>
        tpu.vector_store %arg8[%swap3A, %swap3A_33], %swap3A_36 {strides = array<i32>} : memref<128x128xf32, #tpu.memory_space<vmem>>, vector<1x16xf32>,
      }
      %scan3A_29 = arith.constant 8 : i32
    }
    %scan3A_5 = arith.constant 128 : i32
    %mul3A_6 = arith.constant 640 : i32
    %mul3A_7 = arith.muli %arg1, %mul3A_6 : i32
    %add3A_8 = arith.constant 0 : i32
    %add3A_9 = arith.addi %mul3A_7, %add3A_8 : i32
    "tpu.region"() ({
      %run_scoped3A = tpu.sem_alloc : memref<!tpu.dma_semaphore, #tpu.memory_space<semaphore_mem>>
      %dma_start3A = arith.constant 0 : i32
      %dma_start3A_24 = tpu.memref_slice %arg10[%add3A_9, %dma_start3A] : memref<10240x128xf32, #tpu.memory_space<vmem_shared>> -> memref<128x128xf32, #tpu.memory_space<vmem_shared>>
      %dma_start3A_25 = arith.constant 0 : i32
      %dma_start3A_26 = tpu.memref_slice %arg10[%add3A_9, %dma_start3A_25] : memref<10240x128xf32, #tpu.memory_space<vmem_shared>> -> memref<128x128xf32, #tpu.memory_space<vmem_shared>>
      tpu.enqueue_dma source(%arg8 : memref<128x128xf32, #tpu.memory_space<vmem>>) target(%dma_start3A_26 : memref<128x128xf32, #tpu.memory_space<vmem_shared>>) target_semaphore(%run_scoped3A : memref<!tpu.dma_semaphore, #tpu.memory_space<semaphore_mem>>)
      %dma_wait3A = arith.constant 0 : i32
      %dma_wait3A_27 = tpu.memref_slice %arg10[%add3A_9, %dma_wait3A] : memref<10240x128xf32, #tpu.memory_space<vmem_shared>> -> memref<128x128xf32, #tpu.memory_space<vmem_shared>>
      %dma_wait3A_28 = arith.constant 0 : i32
      %dma_wait3A_29 = tpu.memref_slice %arg10[%add3A_9, %dma_wait3A_28] : memref<10240x128xf32, #tpu.memory_space<vmem_shared>> -> memref<128x128xf32, #tpu.memory_space<vmem_shared>>
      tpu.wait_dma2 semaphore(%run_scoped3A : memref<!tpu.dma_semaphore, #tpu.memory_space<semaphore_mem>>) src(%arg8 : memref<128x128xf32, #tpu.memory_space<vmem>>) dst(%dma_wait3A_29 : memref<128x128xf32, #tpu.memory_space<vmem_shared>>)
      tpu.yield
    }) : () -> ()
    %add3A_10 = arith.constant 128 : i32
    %add3A_11 = arith.addi %mul3A_7, %add3A_10 : i32
    "tpu.region"() ({
      %run_scoped3A = tpu.sem_alloc : memref<!tpu.dma_semaphore, #tpu.memory_space<semaphore_mem>>
      %dma_start3A = arith.constant 0 : i32
      %dma_start3A_24 = tpu.memref_slice %arg10[%add3A_11, %dma_start3A] : memref<10240x128xf32, #tpu.memory_space<vmem_shared>> -> memref<128x128xf32, #tpu.memory_space<vmem_shared>>
      %dma_start3A_25 = arith.constant 0 : i32
      %dma_start3A_26 = tpu.memref_slice %arg10[%add3A_11, %dma_start3A_25] : memref<10240x128xf32, #tpu.memory_space<vmem_shared>> -> memref<128x128xf32, #tpu.memory_space<vmem_shared>>
      tpu.enqueue_dma source(%arg8 : memref<128x128xf32, #tpu.memory_space<vmem>>) target(%dma_start3A_26 : memref<128x128xf32, #tpu.memory_space<vmem_shared>>) target_semaphore(%run_scoped3A : memref<!tpu.dma_semaphore, #tpu.memory_space<semaphore_mem>>)
      %dma_wait3A = arith.constant 0 : i32
      %dma_wait3A_27 = tpu.memref_slice %arg10[%add3A_11, %dma_wait3A] : memref<10240x128xf32, #tpu.memory_space<vmem_shared>> -> memref<128x128xf32, #tpu.memory_space<vmem_shared>>
      %dma_wait3A_28 = arith.constant 0 : i32
      %dma_wait3A_29 = tpu.memref_slice %arg10[%add3A_11, %dma_wait3A_28] : memref<10240x128xf32, #tpu.memory_space<vmem_shared>> -> memref<128x128xf32, #tpu.memory_space<vmem_shared>>
      tpu.wait_dma2 semaphore(%run_scoped3A : memref<!tpu.dma_semaphore, #tpu.memory_space<semaphore_mem>>) src(%arg8 : memref<128x128xf32, #tpu.memory_space<vmem>>) dst(%dma_wait3A_29 : memref<128x128xf32, #tpu.memory_space<vmem_shared>>)
      tpu.yield
    }) : () -> ()
    %add3A_12 = arith.constant 256 : i32
    %add3A_13 = arith.addi %mul3A_7, %add3A_12 : i32
    "tpu.region"() ({
      %run_scoped3A = tpu.sem_alloc : memref<!tpu.dma_semaphore, #tpu.memory_space<semaphore_mem>>
      %dma_start3A = arith.constant 0 : i32
      %dma_start3A_24 = tpu.memref_slice %arg10[%add3A_13, %dma_start3A] : memref<10240x128xf32, #tpu.memory_space<vmem_shared>> -> memref<128x128xf32, #tpu.memory_space<vmem_shared>>
      %dma_start3A_25 = arith.constant 0 : i32
      %dma_start3A_26 = tpu.memref_slice %arg10[%add3A_13, %dma_start3A_25] : memref<10240x128xf32, #tpu.memory_space<vmem_shared>> -> memref<128x128xf32, #tpu.memory_space<vmem_shared>>
      tpu.enqueue_dma source(%arg8 : memref<128x128xf32, #tpu.memory_space<vmem>>) target(%dma_start3A_26 : memref<128x128xf32, #tpu.memory_space<vmem_shared>>) target_semaphore(%run_scoped3A : memref<!tpu.dma_semaphore, #tpu.memory_space<semaphore_mem>>)
      %dma_wait3A = arith.constant 0 : i32
      %dma_wait3A_27 = tpu.memref_slice %arg10[%add3A_13, %dma_wait3A] : memref<10240x128xf32, #tpu.memory_space<vmem_shared>> -> memref<128x128xf32, #tpu.memory_space<vmem_shared>>
      %dma_wait3A_28 = arith.constant 0 : i32
      %dma_wait3A_29 = tpu.memref_slice %arg10[%add3A_13, %dma_wait3A_28] : memref<10240x128xf32, #tpu.memory_space<vmem_shared>> -> memref<128x128xf32, #tpu.memory_space<vmem_shared>>
      tpu.wait_dma2 semaphore(%run_scoped3A : memref<!tpu.dma_semaphore, #tpu.memory_space<semaphore_mem>>) src(%arg8 : memref<128x128xf32, #tpu.memory_space<vmem>>) dst(%dma_wait3A_29 : memref<128x128xf32, #tpu.memory_space<vmem_shared>>)
      tpu.yield
    }) : () -> ()
    %add3A_14 = arith.constant 384 : i32
    %add3A_15 = arith.addi %mul3A_7, %add3A_14 : i32
    "tpu.region"() ({
      %run_scoped3A = tpu.sem_alloc : memref<!tpu.dma_semaphore, #tpu.memory_space<semaphore_mem>>
      %dma_start3A = arith.constant 0 : i32
      %dma_start3A_24 = tpu.memref_slice %arg10[%add3A_15, %dma_start3A] : memref<10240x128xf32, #tpu.memory_space<vmem_shared>> -> memref<128x128xf32, #tpu.memory_space<vmem_shared>>
      %dma_start3A_25 = arith.constant 0 : i32
      %dma_start3A_26 = tpu.memref_slice %arg10[%add3A_15, %dma_start3A_25] : memref<10240x128xf32, #tpu.memory_space<vmem_shared>> -> memref<128x128xf32, #tpu.memory_space<vmem_shared>>
      tpu.enqueue_dma source(%arg8 : memref<128x128xf32, #tpu.memory_space<vmem>>) target(%dma_start3A_26 : memref<128x128xf32, #tpu.memory_space<vmem_shared>>) target_semaphore(%run_scoped3A : memref<!tpu.dma_semaphore, #tpu.memory_space<semaphore_mem>>)
      %dma_wait3A = arith.constant 0 : i32
      %dma_wait3A_27 = tpu.memref_slice %arg10[%add3A_15, %dma_wait3A] : memref<10240x128xf32, #tpu.memory_space<vmem_shared>> -> memref<128x128xf32, #tpu.memory_space<vmem_shared>>
      %dma_wait3A_28 = arith.constant 0 : i32
      %dma_wait3A_29 = tpu.memref_slice %arg10[%add3A_15, %dma_wait3A_28] : memref<10240x128xf32, #tpu.memory_space<vmem_shared>> -> memref<128x128xf32, #tpu.memory_space<vmem_shared>>
      tpu.wait_dma2 semaphore(%run_scoped3A : memref<!tpu.dma_semaphore, #tpu.memory_space<semaphore_mem>>) src(%arg8 : memref<128x128xf32, #tpu.memory_space<vmem>>) dst(%dma_wait3A_29 : memref<128x128xf32, #tpu.memory_space<vmem_shared>>)
      tpu.yield
    }) : () -> ()
    %add3A_16 = arith.constant 512 : i32
    %add3A_17 = arith.addi %mul3A_7, %add3A_16 : i32
    "tpu.region"() ({
      %run_scoped3A = tpu.sem_alloc : memref<!tpu.dma_semaphore, #tpu.memory_space<semaphore_mem>>
      %dma_start3A = arith.constant 0 : i32
      %dma_start3A_24 = tpu.memref_slice %arg10[%add3A_17, %dma_start3A] : memref<10240x128xf32, #tpu.memory_space<vmem_shared>> -> memref<128x128xf32, #tpu.memory_space<vmem_shared>>
      %dma_start3A_25 = arith.constant 0 : i32
      %dma_start3A_26 = tpu.memref_slice %arg10[%add3A_17, %dma_start3A_25] : memref<10240x128xf32, #tpu.memory_space<vmem_shared>> -> memref<128x128xf32, #tpu.memory_space<vmem_shared>>
      tpu.enqueue_dma source(%arg8 : memref<128x128xf32, #tpu.memory_space<vmem>>) target(%dma_start3A_26 : memref<128x128xf32, #tpu.memory_space<vmem_shared>>) target_semaphore(%run_scoped3A : memref<!tpu.dma_semaphore, #tpu.memory_space<semaphore_mem>>)
      %dma_wait3A = arith.constant 0 : i32
      %dma_wait3A_27 = tpu.memref_slice %arg10[%add3A_17, %dma_wait3A] : memref<10240x128xf32, #tpu.memory_space<vmem_shared>> -> memref<128x128xf32, #tpu.memory_space<vmem_shared>>
      %dma_wait3A_28 = arith.constant 0 : i32
      %dma_wait3A_29 = tpu.memref_slice %arg10[%add3A_17, %dma_wait3A_28] : memref<10240x128xf32, #tpu.memory_space<vmem_shared>> -> memref<128x128xf32, #tpu.memory_space<vmem_shared>>
      tpu.wait_dma2 semaphore(%run_scoped3A : memref<!tpu.dma_semaphore, #tpu.memory_space<semaphore_mem>>) src(%arg8 : memref<128x128xf32, #tpu.memory_space<vmem>>) dst(%dma_wait3A_29 : memref<128x128xf32, #tpu.memory_space<vmem_shared>>)
      tpu.yield
    }) : () -> ()
    %barrier3A = arith.constant 0 : index
    tpu.barrier barrier_id(%barrier3A)
    %scan3A_18 = arith.constant 0 : i32
    %scan3A_19 = arith.constant 79 : i32
    %scan3A_20 = arith.addi %scan3A_18, %scan3A_19 : i32
    %scan3A_21 = arith.constant 1 : i32
    scf.for %scan3A_24 = %scan3A_18 to %scan3A_20 step %scan3A_21  : i32 {
      %dma_start3A = arith.constant 0 : i32
      %dma_start3A_25 = tpu.memref_slice %arg6[%scan3A_24, %dma_start3A] : memref<79x128xi32, #tpu.memory_space<vmem>> -> memref<1x128xi32, #tpu.memory_space<vmem>>
      %dma_start3A_26 = tpu.memref_squeeze %dma_start3A_25 : memref<1x128xi32, #tpu.memory_space<vmem>> -> memref<128xi32, #tpu.memory_space<vmem>>
      %dma_start3A_27 = arith.constant 0 : i32
      %dma_start3A_28 = arith.constant 0 : i32
      %dma_start3A_29 = tpu.memref_slice %arg2[%dma_start3A_27, %dma_start3A_28] : memref<10240x128xf32, #tpu.memory_space<hbm>> -> memref<10240x128xf32, #tpu.memory_space<hbm>>
      tpu.enqueue_indirect_dma source(%dma_start3A_29 : memref<10240x128xf32, #tpu.memory_space<hbm>>) target(%arg8 : memref<128x128xf32, #tpu.memory_space<vmem>>) offsets(%dma_start3A_26 : memref<128xi32, #tpu.memory_space<vmem>>) semaphore(%arg9 : memref<!tpu.dma_semaphore, #tpu.memory_space<semaphore_mem>>)
      %dma_wait3A = arith.constant 0 : i32
      %dma_wait3A_30 = tpu.memref_slice %arg6[%scan3A_24, %dma_wait3A] : memref<79x128xi32, #tpu.memory_space<vmem>> -> memref<1x128xi32, #tpu.memory_space<vmem>>
      %dma_wait3A_31 = tpu.memref_squeeze %dma_wait3A_30 : memref<1x128xi32, #tpu.memory_space<vmem>> -> memref<128xi32, #tpu.memory_space<vmem>>
      %dma_wait3A_32 = arith.constant 0 : i32
      %dma_wait3A_33 = arith.constant 0 : i32
      %dma_wait3A_34 = tpu.memref_slice %arg2[%dma_wait3A_32, %dma_wait3A_33] : memref<10240x128xf32, #tpu.memory_space<hbm>> -> memref<10240x128xf32, #tpu.memory_space<hbm>>
      tpu.wait_indirect_dma semaphore(%arg9 : memref<!tpu.dma_semaphore, #tpu.memory_space<semaphore_mem>>) src(%dma_wait3A_34 : memref<10240x128xf32, #tpu.memory_space<hbm>>) dst(%arg8 : memref<128x128xf32, #tpu.memory_space<vmem>>)
      "tpu.region"() ({
        %run_scoped3A = tpu.sem_alloc : memref<!tpu.dma_semaphore, #tpu.memory_space<semaphore_mem>>
        %dma_start3A_35 = arith.constant 0 : i32
        %dma_start3A_36 = tpu.memref_slice %arg7[%scan3A_24, %dma_start3A_35] : memref<79x128xi32, #tpu.memory_space<vmem>> -> memref<1x128xi32, #tpu.memory_space<vmem>>
        %dma_start3A_37 = tpu.memref_squeeze %dma_start3A_36 : memref<1x128xi32, #tpu.memory_space<vmem>> -> memref<128xi32, #tpu.memory_space<vmem>>
        %dma_start3A_38 = arith.constant 0 : i32
        %dma_start3A_39 = arith.constant 0 : i32
        %dma_start3A_40 = tpu.memref_slice %arg10[%dma_start3A_38, %dma_start3A_39] : memref<10240x128xf32, #tpu.memory_space<vmem_shared>> -> memref<10240x128xf32, #tpu.memory_space<vmem_shared>>
        tpu.enqueue_indirect_dma source(%arg8 : memref<128x128xf32, #tpu.memory_space<vmem>>) target(%dma_start3A_40 : memref<10240x128xf32, #tpu.memory_space<vmem_shared>>) offsets(%dma_start3A_37 : memref<128xi32, #tpu.memory_space<vmem>>) semaphore(%run_scoped3A : memref<!tpu.dma_semaphore, #tpu.memory_space<semaphore_mem>>) {add = true}
        %dma_wait3A_41 = arith.constant 0 : i32
        %dma_wait3A_42 = tpu.memref_slice %arg7[%scan3A_24, %dma_wait3A_41] : memref<79x128xi32, #tpu.memory_space<vmem>> -> memref<1x128xi32, #tpu.memory_space<vmem>>
        %dma_wait3A_43 = tpu.memref_squeeze %dma_wait3A_42 : memref<1x128xi32, #tpu.memory_space<vmem>> -> memref<128xi32, #tpu.memory_space<vmem>>
        %dma_wait3A_44 = arith.constant 0 : i32
        %dma_wait3A_45 = arith.constant 0 : i32
        %dma_wait3A_46 = tpu.memref_slice %arg10[%dma_wait3A_44, %dma_wait3A_45] : memref<10240x128xf32, #tpu.memory_space<vmem_shared>> -> memref<10240x128xf32, #tpu.memory_space<vmem_shared>>
        tpu.wait_indirect_dma semaphore(%run_scoped3A : memref<!tpu.dma_semaphore, #tpu.memory_space<semaphore_mem>>) src(%arg8 : memref<128x128xf32, #tpu.memory_space<vmem>>) dst(%dma_wait3A_46 : memref<10240x128xf32, #tpu.memory_space<vmem_shared>>)
        tpu.yield
      }) : () -> ()
    }
    %scan3A_22 = arith.constant 79 : i32
    %barrier3A_23 = arith.constant 0 : index
    tpu.barrier barrier_id(%barrier3A_23)
    "tpu.region"() ({
      %run_scoped3A = tpu.sem_alloc : memref<!tpu.dma_semaphore, #tpu.memory_space<semaphore_mem>>
      %dma_start3A = arith.constant 0 : i32
      %dma_start3A_24 = tpu.memref_slice %arg5[%arg0, %mul3A_7, %dma_start3A] : memref<2x10240x128xf32, #tpu.memory_space<hbm>> -> memref<1x640x128xf32, #tpu.memory_space<hbm>>
      %dma_start3A_25 = tpu.memref_squeeze %dma_start3A_24 : memref<1x640x128xf32, #tpu.memory_space<hbm>> -> memref<640x128xf32, #tpu.memory_space<hbm>>
      %dma_start3A_26 = arith.constant 0 : i32
      %dma_start3A_27 = tpu.memref_slice %arg10[%mul3A_7, %dma_start3A_26] : memref<10240x128xf32, #tpu.memory_space<vmem_shared>> -> memref<640x128xf32, #tpu.memory_space<vmem_shared>>
      tpu.enqueue_dma source(%dma_start3A_27 : memref<640x128xf32, #tpu.memory_space<vmem_shared>>) target(%dma_start3A_25 : memref<640x128xf32, #tpu.memory_space<hbm>>) target_semaphore(%run_scoped3A : memref<!tpu.dma_semaphore, #tpu.memory_space<semaphore_mem>>)
      %dma_wait3A = arith.constant 0 : i32
      %dma_wait3A_28 = tpu.memref_slice %arg5[%arg0, %mul3A_7, %dma_wait3A] : memref<2x10240x128xf32, #tpu.memory_space<hbm>> -> memref<1x640x128xf32, #tpu.memory_space<hbm>>
      %dma_wait3A_29 = tpu.memref_squeeze %dma_wait3A_28 : memref<1x640x128xf32, #tpu.memory_space<hbm>> -> memref<640x128xf32, #tpu.memory_space<hbm>>
      %dma_wait3A_30 = arith.constant 0 : i32
      %dma_wait3A_31 = tpu.memref_slice %arg10[%mul3A_7, %dma_wait3A_30] : memref<10240x128xf32, #tpu.memory_space<vmem_shared>> -> memref<640x128xf32, #tpu.memory_space<vmem_shared>>
      tpu.wait_dma2 semaphore(%run_scoped3A : memref<!tpu.dma_semaphore, #tpu.memory_space<semaphore_mem>>) src(%dma_wait3A_31 : memref<640x128xf32, #tpu.memory_space<vmem_shared>>) dst(%dma_wait3A_29 : memref<640x128xf32, #tpu.memory_space<hbm>>)
      tpu.yield
    }) : () -> ()
    return
  }
}

module attributes {stable_mosaic.version = 14 : i64} {
  func.func @_k1_body(%arg0: i32, %arg1: memref<1024x128xf32, #tpu.memory_space<vmem>>, %arg2: memref<128x128xf32, #tpu.memory_space<vmem>>, %arg3: memref<2x1024x128xf32, #tpu.memory_space<vmem>>, %arg4: memref<1024x128xf32, #tpu.memory_space<vmem>>) attributes {dimension_semantics = [#tpu.dimension_semantics<arbitrary>], iteration_bounds = array<i64: 10>, scalar_prefetch = 0 : i64, scratch_operands = 0 : i64, tpu.core_type = #tpu.core_type<tc>, window_params = [{transform_indices = @transform_0, window_bounds = array<i64: 1024, 128>}, {pipeline_mode = #tpu.pipeline_mode<synchronous>, transform_indices = @transform_1, window_bounds = array<i64: 128, 128>}, {transform_indices = @transform_2, window_bounds = array<i64: 2, 1024, 128>}, {transform_indices = @transform_3, window_bounds = array<i64: 1024, 128>}]} {
    %get3A = arith.constant 0 : index
    %get3A_0 = arith.constant 0 : index
    %get3A_1 = arith.constant 0 : index
    %get3A_2 = vector.load %arg3[%get3A, %get3A_0, %get3A_1] : memref<2x1024x128xf32, #tpu.memory_space<vmem>>, vector<1x1024x1xf32>
    %get3A_3 = vector.shape_cast %get3A_2 : vector<1x1024x1xf32> to vector<1024xf32>
    %get3A_4 = arith.constant 1 : index
    %get3A_5 = arith.constant 0 : index
    %get3A_6 = arith.constant 0 : index
    %get3A_7 = vector.load %arg3[%get3A_4, %get3A_5, %get3A_6] : memref<2x1024x128xf32, #tpu.memory_space<vmem>>, vector<1x1024x1xf32>
    %get3A_8 = vector.shape_cast %get3A_7 : vector<1x1024x1xf32> to vector<1024xf32>
    %add3A = arith.addf %get3A_3, %get3A_8 : vector<1024xf32>
    %add3A_9 = arith.constant 1.000000e+00 : f32
    %add3A_10 = vector.broadcast %add3A_9 : f32 to vector<1024xf32>
    %add3A_11 = arith.addf %add3A, %add3A_10 : vector<1024xf32>
    %sqrt3A = math.sqrt %add3A_11 : vector<1024xf32>
    %div3A = arith.constant 1.000000e+00 : f32
    %div3A_12 = vector.broadcast %div3A : f32 to vector<1024xf32>
    %div3A_13 = arith.divf %div3A_12, %sqrt3A : vector<1024xf32>
    %get3A_14 = arith.constant 0 : index
    %get3A_15 = arith.constant 0 : index
    %get3A_16 = vector.load %arg1[%get3A_14, %get3A_15] : memref<1024x128xf32, #tpu.memory_space<vmem>>, vector<1024x128xf32>
    %get3A_17 = arith.constant 0 : index
    %get3A_18 = arith.constant 0 : index
    %get3A_19 = vector.load %arg2[%get3A_17, %get3A_18] : memref<128x128xf32, #tpu.memory_space<vmem>>, vector<128x128xf32>
    %dot_general3A = arith.constant dense<0.000000e+00> : vector<1024x128xf32>
    %dot_general3A_20 = tpu.matmul %get3A_16, %get3A_19, %dot_general3A {dimension_numbers = #tpu.dot_dimension_numbers<[1], [0], [0], [1], [0, 0, 1, 1], [], []>, transpose_lhs_hint = false} : vector<1024x128xf32>, vector<128x128xf32>, vector<1024x128xf32> -> vector<1024x128xf32>
    %broadcast_in_dim3A = vector.shape_cast %div3A_13 : vector<1024xf32> to vector<1024x1xf32>
    %mul3A = vector.broadcast %broadcast_in_dim3A : vector<1024x1xf32> to vector<1024x128xf32>
    %mul3A_21 = arith.mulf %dot_general3A_20, %mul3A : vector<1024x128xf32>
    %swap3A = arith.constant 0 : index
    %swap3A_22 = arith.constant 0 : index
    %swap3A_23 = vector.load %arg4[%swap3A, %swap3A_22] : memref<1024x128xf32, #tpu.memory_space<vmem>>, vector<1024x128xf32>
    tpu.vector_store %arg4[%swap3A, %swap3A_22], %mul3A_21 {strides = array<i32>} : memref<1024x128xf32, #tpu.memory_space<vmem>>, vector<1024x128xf32>,
    return
  }
  func.func @transform_0(%arg0: i32) -> (i32, i32) {
    %c0_i32 = arith.constant 0 : i32
    %c0_i32_0 = arith.constant 0 : i32
    return %arg0, %c0_i32 : i32, i32
  }
  func.func @transform_1(%arg0: i32) -> (i32, i32) {
    %c0_i32 = arith.constant 0 : i32
    %c0_i32_0 = arith.constant 0 : i32
    %c0_i32_1 = arith.constant 0 : i32
    return %c0_i32, %c0_i32_0 : i32, i32
  }
  func.func @transform_2(%arg0: i32) -> (i32, i32, i32) {
    %c0_i32 = arith.constant 0 : i32
    %c0_i32_0 = arith.constant 0 : i32
    %c0_i32_1 = arith.constant 0 : i32
    return %c0_i32, %arg0, %c0_i32_0 : i32, i32, i32
  }
  func.func @transform_3(%arg0: i32) -> (i32, i32) {
    %c0_i32 = arith.constant 0 : i32
    %c0_i32_0 = arith.constant 0 : i32
    return %arg0, %c0_i32 : i32, i32
  }
}

module attributes {stable_mosaic.version = 14 : i64} {
  func.func @_k23_body(%arg0: i32, %arg1: memref<2x1024x128xf32, #tpu.memory_space<vmem>>, %arg2: memref<1024x128xf32, #tpu.memory_space<vmem>>, %arg3: memref<2x1024x128xf32, #tpu.memory_space<vmem>>, %arg4: memref<1x128xf32, #tpu.memory_space<vmem>>, %arg5: memref<128x128xf32, #tpu.memory_space<vmem>>, %arg6: memref<1024x128xf32, #tpu.memory_space<vmem>>) attributes {dimension_semantics = [#tpu.dimension_semantics<arbitrary>], iteration_bounds = array<i64: 10>, scalar_prefetch = 0 : i64, scratch_operands = 0 : i64, tpu.core_type = #tpu.core_type<tc>, window_params = [{transform_indices = @transform_0, window_bounds = array<i64: 2, 1024, 128>}, {transform_indices = @transform_1, window_bounds = array<i64: 1024, 128>}, {transform_indices = @transform_2, window_bounds = array<i64: 2, 1024, 128>}, {pipeline_mode = #tpu.pipeline_mode<synchronous>, transform_indices = @transform_3, window_bounds = array<i64: 1, 128>}, {pipeline_mode = #tpu.pipeline_mode<synchronous>, transform_indices = @transform_4, window_bounds = array<i64: 128, 128>}, {transform_indices = @transform_5, window_bounds = array<i64: 1024, 128>}]} {
    %get3A = arith.constant 0 : index
    %get3A_0 = arith.constant 0 : index
    %get3A_1 = arith.constant 0 : index
    %get3A_2 = vector.load %arg3[%get3A, %get3A_0, %get3A_1] : memref<2x1024x128xf32, #tpu.memory_space<vmem>>, vector<1x1024x1xf32>
    %get3A_3 = vector.shape_cast %get3A_2 : vector<1x1024x1xf32> to vector<1024xf32>
    %get3A_4 = arith.constant 1 : index
    %get3A_5 = arith.constant 0 : index
    %get3A_6 = arith.constant 0 : index
    %get3A_7 = vector.load %arg3[%get3A_4, %get3A_5, %get3A_6] : memref<2x1024x128xf32, #tpu.memory_space<vmem>>, vector<1x1024x1xf32>
    %get3A_8 = vector.shape_cast %get3A_7 : vector<1x1024x1xf32> to vector<1024xf32>
    %add3A = arith.addf %get3A_3, %get3A_8 : vector<1024xf32>
    %add3A_9 = arith.constant 1.000000e+00 : f32
    %add3A_10 = vector.broadcast %add3A_9 : f32 to vector<1024xf32>
    %add3A_11 = arith.addf %add3A, %add3A_10 : vector<1024xf32>
    %sqrt3A = math.sqrt %add3A_11 : vector<1024xf32>
    %div3A = arith.constant 1.000000e+00 : f32
    %div3A_12 = vector.broadcast %div3A : f32 to vector<1024xf32>
    %div3A_13 = arith.divf %div3A_12, %sqrt3A : vector<1024xf32>
    %get3A_14 = arith.constant 0 : index
    %get3A_15 = arith.constant 0 : index
    %get3A_16 = arith.constant 0 : index
    %get3A_17 = vector.load %arg1[%get3A_14, %get3A_15, %get3A_16] : memref<2x1024x128xf32, #tpu.memory_space<vmem>>, vector<1x1024x128xf32>
    %get3A_18 = vector.shape_cast %get3A_17 : vector<1x1024x128xf32> to vector<1024x128xf32>
    %get3A_19 = arith.constant 1 : index
    %get3A_20 = arith.constant 0 : index
    %get3A_21 = arith.constant 0 : index
    %get3A_22 = vector.load %arg1[%get3A_19, %get3A_20, %get3A_21] : memref<2x1024x128xf32, #tpu.memory_space<vmem>>, vector<1x1024x128xf32>
    %get3A_23 = vector.shape_cast %get3A_22 : vector<1x1024x128xf32> to vector<1024x128xf32>
    %add3A_24 = arith.addf %get3A_18, %get3A_23 : vector<1024x128xf32>
    %get3A_25 = arith.constant 0 : index
    %get3A_26 = arith.constant 0 : index
    %get3A_27 = vector.load %arg2[%get3A_25, %get3A_26] : memref<1024x128xf32, #tpu.memory_space<vmem>>, vector<1024x128xf32>
    %add3A_28 = arith.addf %add3A_24, %get3A_27 : vector<1024x128xf32>
    %broadcast_in_dim3A = vector.shape_cast %div3A_13 : vector<1024xf32> to vector<1024x1xf32>
    %mul3A = vector.broadcast %broadcast_in_dim3A : vector<1024x1xf32> to vector<1024x128xf32>
    %mul3A_29 = arith.mulf %add3A_28, %mul3A : vector<1024x128xf32>
    %get3A_30 = arith.constant 0 : index
    %get3A_31 = arith.constant 0 : index
    %get3A_32 = vector.load %arg4[%get3A_30, %get3A_31] : memref<1x128xf32, #tpu.memory_space<vmem>>, vector<1x128xf32>
    %add3A_33 = vector.broadcast %get3A_32 : vector<1x128xf32> to vector<1024x128xf32>
    %add3A_34 = arith.addf %mul3A_29, %add3A_33 : vector<1024x128xf32>
    %max3A = arith.constant 0.000000e+00 : f32
    %max3A_35 = vector.broadcast %max3A : f32 to vector<1024x128xf32>
    %max3A_36 = arith.maximumf %add3A_34, %max3A_35 : vector<1024x128xf32>
    %get3A_37 = arith.constant 0 : index
    %get3A_38 = arith.constant 0 : index
    %get3A_39 = vector.load %arg5[%get3A_37, %get3A_38] : memref<128x128xf32, #tpu.memory_space<vmem>>, vector<128x128xf32>
    %dot_general3A = arith.constant dense<0.000000e+00> : vector<1024x128xf32>
    %dot_general3A_40 = tpu.matmul %max3A_36, %get3A_39, %dot_general3A {dimension_numbers = #tpu.dot_dimension_numbers<[1], [0], [0], [1], [0, 0, 1, 1], [], []>, transpose_lhs_hint = false} : vector<1024x128xf32>, vector<128x128xf32>, vector<1024x128xf32> -> vector<1024x128xf32>
    %broadcast_in_dim3A_41 = vector.shape_cast %div3A_13 : vector<1024xf32> to vector<1024x1xf32>
    %mul3A_42 = vector.broadcast %broadcast_in_dim3A_41 : vector<1024x1xf32> to vector<1024x128xf32>
    %mul3A_43 = arith.mulf %dot_general3A_40, %mul3A_42 : vector<1024x128xf32>
    %swap3A = arith.constant 0 : index
    %swap3A_44 = arith.constant 0 : index
    %swap3A_45 = vector.load %arg6[%swap3A, %swap3A_44] : memref<1024x128xf32, #tpu.memory_space<vmem>>, vector<1024x128xf32>
    tpu.vector_store %arg6[%swap3A, %swap3A_44], %mul3A_43 {strides = array<i32>} : memref<1024x128xf32, #tpu.memory_space<vmem>>, vector<1024x128xf32>,
    return
  }
  func.func @transform_0(%arg0: i32) -> (i32, i32, i32) {
    %c0_i32 = arith.constant 0 : i32
    %c0_i32_0 = arith.constant 0 : i32
    %c0_i32_1 = arith.constant 0 : i32
    return %c0_i32, %arg0, %c0_i32_0 : i32, i32, i32
  }
  func.func @transform_1(%arg0: i32) -> (i32, i32) {
    %c0_i32 = arith.constant 0 : i32
    %c0_i32_0 = arith.constant 0 : i32
    return %arg0, %c0_i32 : i32, i32
  }
  func.func @transform_2(%arg0: i32) -> (i32, i32, i32) {
    %c0_i32 = arith.constant 0 : i32
    %c0_i32_0 = arith.constant 0 : i32
    %c0_i32_1 = arith.constant 0 : i32
    return %c0_i32, %arg0, %c0_i32_0 : i32, i32, i32
  }
  func.func @transform_3(%arg0: i32) -> (i32, i32) {
    %c0_i32 = arith.constant 0 : i32
    %c0_i32_0 = arith.constant 0 : i32
    %c0_i32_1 = arith.constant 0 : i32
    return %c0_i32, %c0_i32_0 : i32, i32
  }
  func.func @transform_4(%arg0: i32) -> (i32, i32) {
    %c0_i32 = arith.constant 0 : i32
    %c0_i32_0 = arith.constant 0 : i32
    %c0_i32_1 = arith.constant 0 : i32
    return %c0_i32, %c0_i32_0 : i32, i32
  }
  func.func @transform_5(%arg0: i32) -> (i32, i32) {
    %c0_i32 = arith.constant 0 : i32
    %c0_i32_0 = arith.constant 0 : i32
    return %arg0, %c0_i32 : i32, i32
  }
}

module attributes {stable_mosaic.version = 14 : i64} {
  func.func @_k4_body(%arg0: i32, %arg1: memref<2x1024x128xf32, #tpu.memory_space<vmem>>, %arg2: memref<1024x128xf32, #tpu.memory_space<vmem>>, %arg3: memref<2x1024x128xf32, #tpu.memory_space<vmem>>, %arg4: memref<1x128xf32, #tpu.memory_space<vmem>>, %arg5: memref<1024x128xf32, #tpu.memory_space<vmem>>) attributes {dimension_semantics = [#tpu.dimension_semantics<arbitrary>], iteration_bounds = array<i64: 10>, scalar_prefetch = 0 : i64, scratch_operands = 0 : i64, tpu.core_type = #tpu.core_type<tc>, window_params = [{transform_indices = @transform_0, window_bounds = array<i64: 2, 1024, 128>}, {transform_indices = @transform_1, window_bounds = array<i64: 1024, 128>}, {transform_indices = @transform_2, window_bounds = array<i64: 2, 1024, 128>}, {pipeline_mode = #tpu.pipeline_mode<synchronous>, transform_indices = @transform_3, window_bounds = array<i64: 1, 128>}, {transform_indices = @transform_4, window_bounds = array<i64: 1024, 128>}]} {
    %get3A = arith.constant 0 : index
    %get3A_0 = arith.constant 0 : index
    %get3A_1 = arith.constant 0 : index
    %get3A_2 = vector.load %arg3[%get3A, %get3A_0, %get3A_1] : memref<2x1024x128xf32, #tpu.memory_space<vmem>>, vector<1x1024x1xf32>
    %get3A_3 = vector.shape_cast %get3A_2 : vector<1x1024x1xf32> to vector<1024xf32>
    %get3A_4 = arith.constant 1 : index
    %get3A_5 = arith.constant 0 : index
    %get3A_6 = arith.constant 0 : index
    %get3A_7 = vector.load %arg3[%get3A_4, %get3A_5, %get3A_6] : memref<2x1024x128xf32, #tpu.memory_space<vmem>>, vector<1x1024x1xf32>
    %get3A_8 = vector.shape_cast %get3A_7 : vector<1x1024x1xf32> to vector<1024xf32>
    %add3A = arith.addf %get3A_3, %get3A_8 : vector<1024xf32>
    %add3A_9 = arith.constant 1.000000e+00 : f32
    %add3A_10 = vector.broadcast %add3A_9 : f32 to vector<1024xf32>
    %add3A_11 = arith.addf %add3A, %add3A_10 : vector<1024xf32>
    %sqrt3A = math.sqrt %add3A_11 : vector<1024xf32>
    %div3A = arith.constant 1.000000e+00 : f32
    %div3A_12 = vector.broadcast %div3A : f32 to vector<1024xf32>
    %div3A_13 = arith.divf %div3A_12, %sqrt3A : vector<1024xf32>
    %get3A_14 = arith.constant 0 : index
    %get3A_15 = arith.constant 0 : index
    %get3A_16 = arith.constant 0 : index
    %get3A_17 = vector.load %arg1[%get3A_14, %get3A_15, %get3A_16] : memref<2x1024x128xf32, #tpu.memory_space<vmem>>, vector<1x1024x128xf32>
    %get3A_18 = vector.shape_cast %get3A_17 : vector<1x1024x128xf32> to vector<1024x128xf32>
    %get3A_19 = arith.constant 1 : index
    %get3A_20 = arith.constant 0 : index
    %get3A_21 = arith.constant 0 : index
    %get3A_22 = vector.load %arg1[%get3A_19, %get3A_20, %get3A_21] : memref<2x1024x128xf32, #tpu.memory_space<vmem>>, vector<1x1024x128xf32>
    %get3A_23 = vector.shape_cast %get3A_22 : vector<1x1024x128xf32> to vector<1024x128xf32>
    %add3A_24 = arith.addf %get3A_18, %get3A_23 : vector<1024x128xf32>
    %get3A_25 = arith.constant 0 : index
    %get3A_26 = arith.constant 0 : index
    %get3A_27 = vector.load %arg2[%get3A_25, %get3A_26] : memref<1024x128xf32, #tpu.memory_space<vmem>>, vector<1024x128xf32>
    %add3A_28 = arith.addf %add3A_24, %get3A_27 : vector<1024x128xf32>
    %broadcast_in_dim3A = vector.shape_cast %div3A_13 : vector<1024xf32> to vector<1024x1xf32>
    %mul3A = vector.broadcast %broadcast_in_dim3A : vector<1024x1xf32> to vector<1024x128xf32>
    %mul3A_29 = arith.mulf %add3A_28, %mul3A : vector<1024x128xf32>
    %get3A_30 = arith.constant 0 : index
    %get3A_31 = arith.constant 0 : index
    %get3A_32 = vector.load %arg4[%get3A_30, %get3A_31] : memref<1x128xf32, #tpu.memory_space<vmem>>, vector<1x128xf32>
    %add3A_33 = vector.broadcast %get3A_32 : vector<1x128xf32> to vector<1024x128xf32>
    %add3A_34 = arith.addf %mul3A_29, %add3A_33 : vector<1024x128xf32>
    %reduce_max3A = arith.constant dense<0xFF800000> : vector<1024xf32>
    %reduce_max3A_35 = vector.multi_reduction <maximumf>, %add3A_34, %reduce_max3A [1] : vector<1024x128xf32> to vector<1024xf32>
    %broadcast_in_dim3A_36 = vector.shape_cast %reduce_max3A_35 : vector<1024xf32> to vector<1024x1xf32>
    %sub3A = vector.broadcast %broadcast_in_dim3A_36 : vector<1024x1xf32> to vector<1024x128xf32>
    %sub3A_37 = arith.subf %add3A_34, %sub3A : vector<1024x128xf32>
    %exp3A = math.exp %sub3A_37 : vector<1024x128xf32>
    %reduce_sum3A = arith.constant dense<0.000000e+00> : vector<1024xf32>
    %reduce_sum3A_38 = vector.multi_reduction <add>, %exp3A, %reduce_sum3A [1] : vector<1024x128xf32> to vector<1024xf32>
    %broadcast_in_dim3A_39 = vector.shape_cast %reduce_sum3A_38 : vector<1024xf32> to vector<1024x1xf32>
    %log3A = math.log %broadcast_in_dim3A_39 : vector<1024x1xf32>
    %add3A_40 = arith.addf %log3A, %broadcast_in_dim3A_36 : vector<1024x1xf32>
    %sub3A_41 = vector.broadcast %add3A_40 : vector<1024x1xf32> to vector<1024x128xf32>
    %sub3A_42 = arith.subf %add3A_34, %sub3A_41 : vector<1024x128xf32>
    %swap3A = arith.constant 0 : index
    %swap3A_43 = arith.constant 0 : index
    %swap3A_44 = vector.load %arg5[%swap3A, %swap3A_43] : memref<1024x128xf32, #tpu.memory_space<vmem>>, vector<1024x128xf32>
    tpu.vector_store %arg5[%swap3A, %swap3A_43], %sub3A_42 {strides = array<i32>} : memref<1024x128xf32, #tpu.memory_space<vmem>>, vector<1024x128xf32>,
    return
  }
  func.func @transform_0(%arg0: i32) -> (i32, i32, i32) {
    %c0_i32 = arith.constant 0 : i32
    %c0_i32_0 = arith.constant 0 : i32
    %c0_i32_1 = arith.constant 0 : i32
    return %c0_i32, %arg0, %c0_i32_0 : i32, i32, i32
  }
  func.func @transform_1(%arg0: i32) -> (i32, i32) {
    %c0_i32 = arith.constant 0 : i32
    %c0_i32_0 = arith.constant 0 : i32
    return %arg0, %c0_i32 : i32, i32
  }
  func.func @transform_2(%arg0: i32) -> (i32, i32, i32) {
    %c0_i32 = arith.constant 0 : i32
    %c0_i32_0 = arith.constant 0 : i32
    %c0_i32_1 = arith.constant 0 : i32
    return %c0_i32, %arg0, %c0_i32_0 : i32, i32, i32
  }
  func.func @transform_3(%arg0: i32) -> (i32, i32) {
    %c0_i32 = arith.constant 0 : i32
    %c0_i32_0 = arith.constant 0 : i32
    %c0_i32_1 = arith.constant 0 : i32
    return %c0_i32, %c0_i32_0 : i32, i32
  }
  func.func @transform_4(%arg0: i32) -> (i32, i32) {
    %c0_i32 = arith.constant 0 : i32
    %c0_i32_0 = arith.constant 0 : i32
    return %arg0, %c0_i32 : i32, i32
  }
}

</mosaic_0001>

<sc_bundles>
// kernel: kernel.10.cloned.1.call-start
scs
__scs_entry_jumppad:
0x0: {  	(pc) =	sbr.rel $0x88, $3  }
0x1: {  	(tag) =	ssettag $0x0;
	lr =	simm.s32 $0x1  }
0x2: {  	[smem:$0x3F99] =	sst lr;
	_ =	strace $0xD0000000  }
0x3: {  	_ = 	snop  }
0x4: {  	_ = 	snop  }
0x5: {  	_ = 	snop  }
0x6: {  	_ = 	snop  }
0x7: {  	_ = 	snop  }
__scs_overlays_trampoline_lowered:
0x8: {  	[smem:$0x3FA8] =	sst s0  }
0x9: {  	[smem:$0x3FA9] =	sst s1  }
0xa: {  	[smem:$0x3FAA] =	sst s2  }
0xb: {  	[smem:$0x3FAB] =	sst s3  }
0xc: {  	[smem:$0x3FAC] =	sst s4  }
0xd: {  	[smem:$0x3FAD] =	sst s5  }
0xe: {  	[smem:$0x3FAE] =	sst s6  }
0xf: {  	[smem:$0x3FAF] =	sst s7  }
0x10: {  	[smem:$0x3FB0] =	sst s8  }
0x11: {  	[smem:$0x3FB1] =	sst s9;
	s0 =	simm.s32 @!p0 $0x0  }
0x12: {  	s1 =	sld [smem:$0x3F97];
	s0 =	simm.s32 @p0 $0x1  }
0x13: {  	[smem:$0x3FB2] =	sst s0;
	s0 =	simm.s32 @!p1 $0x0  }
0x14: {  	s2 =	sld [smem:$0x3F96];
	s0 =	simm.s32 @p1 $0x1  }
0x15: {  	[smem:$0x3FB3] =	sst s0;
	s0 =	simm.s32 @!p2 $0x0  }
0x16: {  	s3 =	sld [smem:$0x3FDB];
	s0 =	simm.s32 @p2 $0x1  }
0x17: {  	s4 =	simm.s32 $0x1BF5;
	[smem:$0x3FB5] =	sst s0  }
0x18: {  	s0 =	sld [smem:$0x3F98];
	_ =	swait.ge [sflag:s4], $0x0  }
0x19: {  	s7 =	sld [smem:$0x3F99]  }
0x1a: {  	s8 =	sadd.s32 $0xFFFFE003, lr  }
0x1b: {  	s9 =	sadd.s32 $0xFFFFFEF7, lr;
	s5 =	simm.s32 $0xFFFFFFFF;
	p2 =	slt.u32 s8, $0xFFFFF086  }
0x1c: {  	p1 =	slt.u32 s9, $0xF7A;
	s5 =	simm.s32 @!p2 $0x0  }
0x1d: {  	s5 =	simm.s32 @p1 $0x1;
	p0 =	seq.s32 s7, s2  }
0x1e: {  	s7 =	smul.u32 @!p0 $0xF7A, s2;
	p2 =	seq.s32 @!p0 s5, $0x0  }
0x1f: {  	s9 =	smul.u32 $0xF7A, s1;
	s8 =	simm.s32 @!p0 $0x1BF5;
	p2 =	por !p2, p0  }
0x20: {  	[sflag:s8] =	ssyncset.s32 @!p0 $0xFFFFF086;
	s6 =	sadd.s32 @!p0 s3, s7;
	s7 =	simm.s32 @!p0 $0x108  }
0x21: {  	s3 =	sadd.s32 s3, s9;
	s6 =	sadd.s32 @!p0 $0x88, s6;
	s7 =	simm.s32 @p2 $0x1082  }
0x22: {  	[simem:s7], [sflag:s8] =	dma.local @!p0 [hbm:s6], $0xF7A  }
0x23: {  	s9 =	sor.u32 $0xD0000000, s2;
	s6 =	simm.s32 $0x108;
	_ =	swait.ge @!p0 [sflag:s8], $0x0  }
0x24: {  	s3 =	sadd.s32 $0x88, s3;
	s6 =	simm.s32 @!p1 $0x1082;
	[sflag:s4] =	ssyncset.s32 $0xFFFFF086  }
0x25: {  	[simem:s6], [sflag:s4] =	dma.local [hbm:s3], $0xF7A  }
0x26: {  	[smem:$0x3F99] =	sst s1;
	(tag) =	ssettag s2;
	_ =	strace s9  }
0x27: {  	s1 =	sld [smem:$0x3FA9]  }
0x28: {  	s2 =	sld [smem:$0x3FAA]  }
0x29: {  	s4 =	sld [smem:$0x3FAC]  }
0x2a: {  	p0 =	seq.s32 s5, $0x0;
	s5 =	sld [smem:$0x3FAD]  }
0x2b: {  	s6 =	sld [smem:$0x3FAE]  }
0x2c: {  	s7 =	sld [smem:$0x3FAF]  }
0x2d: {  	s3 =	simm.s32 $0x108;
	s8 =	sld [smem:$0x3FB0]  }
0x2e: {  	s3 =	simm.s32 @!p0 $0x1082;
	s9 =	sld [smem:$0x3FB1]  }
0x2f: {  	lr =	sadd.s32 s0, s3;
	s0 =	sld [smem:$0x3FA8]  }
0x30: {  	s3 =	sld [smem:$0x3FAB]  }
0x31: {  	[smem:$0x3FB4] =	sst s10  }
0x32: {  	s10 =	sld [smem:$0x3FB2];
	_ =	sdelay $0x3  }
0x33: {  	p0 =	seq.s32 s10, $0x1;
	s10 =	sld [smem:$0x3FB4];
	_ =	sdelay $0x3  }
0x34: {  	[smem:$0x3FB4] =	sst s10  }
0x35: {  	s10 =	sld [smem:$0x3FB3];
	_ =	sdelay $0x3  }
0x36: {  	p1 =	seq.s32 s10, $0x1;
	s10 =	sld [smem:$0x3FB4];
	_ =	sdelay $0x3  }
0x37: {  	[smem:$0x3FB4] =	sst s10  }
0x38: {  	s10 =	sld [smem:$0x3FB5]  }
0x39: {  	_ = 	snop;
	(pc) =	sbr.ind lr, $3  }
0x3a: {  	_ = 	snop  }
0x3b: {  	_ = 	snop  }
0x3c: {  	p2 =	seq.s32 s10, $0x1;
	s10 =	sld [smem:$0x3FB4]  }
0x3d: {  	_ =	shalt  }
0x3e: {  	_ =	shalt  }
0x3f: {  	_ =	shalt  }
0x40: {  	_ =	shalt  }
0x41: {  	_ =	shalt  }
0x42: {  	_ =	shalt  }
0x43: {  	_ =	shalt  }
0x44: {  	_ =	shalt  }
0x45: {  	_ =	shalt  }
0x46: {  	_ =	shalt  }
0x47: {  	_ =	shalt  }
0x48: {  	_ =	shalt  }
0x49: {  	_ =	shalt  }
0x4a: {  	_ =	shalt  }
0x4b: {  	_ =	shalt  }
0x4c: {  	_ =	shalt  }
0x4d: {  	_ =	shalt  }
0x4e: {  	_ =	shalt  }
0x4f: {  	_ =	shalt  }
0x50: {  	_ =	shalt  }
0x51: {  	_ =	shalt  }
0x52: {  	_ =	shalt  }
0x53: {  	_ =	shalt  }
0x54: {  	_ =	shalt  }
0x55: {  	_ =	shalt  }
0x56: {  	_ =	shalt  }
0x57: {  	_ =	shalt  }
0x58: {  	_ =	shalt  }
0x59: {  	_ =	shalt  }
0x5a: {  	_ =	shalt  }
0x5b: {  	_ =	shalt  }
0x5c: {  	_ =	shalt  }
0x5d: {  	_ =	shalt  }
0x5e: {  	_ =	shalt  }
0x5f: {  	_ =	shalt  }
0x60: {  	_ =	shalt  }
0x61: {  	_ =	shalt  }
0x62: {  	_ =	shalt  }
0x63: {  	_ =	shalt  }
0x64: {  	_ =	shalt  }
0x65: {  	_ =	shalt  }
0x66: {  	_ =	shalt  }
0x67: {  	_ =	shalt  }
0x68: {  	_ =	shalt  }
0x69: {  	_ =	shalt  }
0x6a: {  	_ =	shalt  }
0x6b: {  	_ =	shalt  }
0x6c: {  	_ =	shalt  }
0x6d: {  	_ =	shalt  }
0x6e: {  	_ =	shalt  }
0x6f: {  	_ =	shalt  }
0x70: {  	_ =	shalt  }
0x71: {  	_ =	shalt  }
0x72: {  	_ =	shalt  }
0x73: {  	_ =	shalt  }
0x74: {  	_ =	shalt  }
0x75: {  	_ =	shalt  }
0x76: {  	_ =	shalt  }
0x77: {  	_ =	shalt  }
0x78: {  	_ =	shalt  }
0x79: {  	_ =	shalt  }
0x7a: {  	_ =	shalt  }
0x7b: {  	_ =	shalt  }
0x7c: {  	_ =	shalt  }
0x7d: {  	_ =	shalt  }
0x7e: {  	_ =	shalt  }
0x7f: {  	_ =	shalt  }
0x80: {  	_ =	shalt  }
0x81: {  	_ =	shalt  }
0x82: {  	_ =	shalt  }
0x83: {  	_ =	shalt  }
0x84: {  	_ =	shalt  }
0x85: {  	_ =	shalt  }
0x86: {  	_ =	shalt  }
0x87: {  	_ =	shalt  }
.Lfunc_end0:
.L_simem_size_0:
called_computation_lowered:
.L_overlay_start_0:
0x88: {  	s2 =	sld [smem:$0x3FD9]  }
0x89: {  	s3 =	sld [smem:$0x3FFE];
	_ =	sdelay $0x1  }
0x8a: {  	s1 =	srdreg.scid  }
0x8b: {  	s0 =	sand.u32 $0x1, s1  }
0x8c: {  	s17 =	sshll.u32 s0, $0xA;
	s2 =	sadd.s32 s3, s2  }
0x8d: {  	s2 =	sadd.s32 s2, s17  }
0x8e: {  	[smem:$0x3FC0] =	sst s2  }
0x8f: {  	_ = 	snop  }
0x90: {  	s2 =	sld [smem:$0x3FD0];
	(tm) =	ssettm $0x1  }
0x91: {  	s18 =	sld [smem:$0x3FFB];
	_ =	sdelay $0x3  }
0x92: {  	_ =	strace s18  }
0x93: {  	s3 =	sld [smem:$0x3FFC];
	_ =	sdelay $0x3  }
0x94: {  	_ =	strace s3  }
0x95: {  	s3 =	sld [smem:$0x3FFD];
	_ =	sdelay $0x3  }
0x96: {  	_ =	strace s3  }
0x97: {  	_ =	strace $0x8FFFFFFF  }
0x98: {  	s19 =	sld [smem:$0x3FDB];
	_ =	sdelay $0x1  }
0x99: {  	s4 =	simm.s32 $_scs_section_size  }
0x9a: {  	s5 =	simm.s32 $_size__tile_overlayer_lowered;
	s6 =	simm.s32 $_tile_overlayer_lowered  }
0x9b: {  	s22 =	simm.s32 $0x1BFF;
	s21 =	sshll.u32 s6, $0x1;
	s3 =	sadd.s32 s4, s19  }
0x9c: {  	s7 =	simm.s32 $0x0;
	s20 =	sshll.u32 s5, $0x1;
	s5 =	sadd.s32 s21, s3  }
0x9d: {  	[timem:s7], [sflag:s22] =	dma.local [hbm:s5], s20  }
0x9e: {  	_ =	swait.ge [sflag:s22], s20  }
0x9f: {  	s4 =	ssub.s32 $0x0, s20;
	[sflag:s22] =	ssyncset.done $0x0  }
0xa0: {  	[sflag:s22] =	ssyncadd.s32 s4;
	_ =	sdelay $0x1  }
0xa1: {  	s23 =	simm.s32 $0x1B8B  }
0xa2: {  	_ =	swait.ge [sflag:s23], $0x1  }
0xa3: {  	[sflag:s23] =	ssyncset.done $0x0  }
0xa4: {  	s25 =	simm.s32 $0x1B8E;
	s24 =	sld [smem:$0x3FFE];
	[sflag:s23] =	ssyncadd.s32 $0xFFFFFFFF  }
0xa5: {  	s26 =	simm.s32 $execute0_lowered;
	[smem:$0x3FD2] =	sst s25  }
0xa6: {  	s5 =	sshll.u32 s26, $0x1;
	_ =	strace $0x80000046;
	[dreg:$0x1] =	wrdreg $0xFFFFFFFF  }
0xa7: {  	s28 =	simm.s32 $_size_execute0_lowered;
	s3 =	sadd.s32 s3, s5;
	[dreg:$0x0] =	wrdreg $0x0  }
0xa8: {  	s5 =	sshll.u32 s28, $0x1;
	[dreg:$0x2] =	wrdreg s3  }
0xa9: {  	[dreg:$0x3] =	wrdreg s5  }
0xaa: {  	[dreg:$0x4] =	wrdreg $0xC0  }
0xab: {  	_ =	task [dreg:s7], $0x5FFFF  }
0xac: {  	[dreg:$0x1] =	wrdreg $0xFFFFFFFF  }
0xad: {  	[dreg:$0x0] =	wrdreg $0x60  }
0xae: {  	[dreg:$0x2] =	wrdreg s2  }
0xaf: {  	[dreg:$0x3] =	wrdreg s24  }
0xb0: {  	[dreg:$0x4] =	wrdreg $0x68000  }
0xb1: {  	[dreg:$0x5] =	wrdreg $0x9  }
0xb2: {  	_ =	task.clear_ibuf [dreg:s7], $0x6FFFF;
	_ =	strace $0x90000046  }
0xb3: {  	s29 =	simm.s32 $0x9;
	_ =	strace $0x80000048  }
0xb4: {  	_ =	swait.ge [sflag:s29], $0x1  }
0xb5: {  	[sflag:s29] =	ssyncadd.s32 $0xFFFFFFFF  }
0xb6: {  	_ =	strace $0x90000048  }
0xb7: {  	_ =	sfence  }
0xb8: {  	s30 =	sld [smem:$0x0];
	_ =	sdelay $0x2  }
0xb9: {  	s31 =	sshll.u32 s1, $0xD;
	s1 =	sshrl.u32 s1, $0x2  }
0xba: {  	s3 =	sand.u32 $0x4000, s31;
	s1 =	sadd.s32 s1, s30  }
0xbb: {  	s0 =	sor.u32 s3, s0;
	s1 =	sshll.u32 s1, $0x11  }
0xbc: {  	s0 =	sor.u32 s1, s0  }
0xbd: {  	s0 =	sadd.s32 $0x8F2B, s0  }
0xbe: {  	[sflag:s0] =	ssyncadd.remote.s32 $0x1  }
0xbf: {  	_ =	sfence.sel $0xFFFF  }
0xc0: {  	[dreg:$0x0] =	wrdreg $0xFFFFFFFF;
	(pc) =	sbr.abs _section_cstart, $3  }
0xc1: {  	[dreg:$0x1] =	wrdreg $0xFFFFFFFF  }
0xc2: {  	_ =	task.clear_ibuf [dreg:s7], $0x2FFFF;
	_ =	strace $0x9FFFFFFF  }
0xc3: {  	(tm) =	ssettm $0x7FFFFFFF  }
tec
execute0_lowered:
.L_overlay_start_1:
0x0: {  	(tag) =	ssettag $0x1  }
0x1: {  	s5 =	rddreg [dreg:$0x0]  }
0x2: {  	s4 =	rddreg [dreg:$0x1];
	s0 =	srdreg.scid  }
0x3: {  	s2 =	rddreg [dreg:$0x2];
	s1 =	stileid.u32  }
0x4: {  	s3 =	simm.s32 $0x0;
	s12 =	simm.s32 $0x1;
	s13 =	simm.s32 $0x2800  }
0x5: {  	s14 =	simm.s32 $0x80;
	s17 =	simm.s32 $0x0;
	s8 =	smul.u32 $0x14000, s1  }
0x6: {  	s6 =	sand.u32 $0x1, s0;
	s0 =	rddreg [dreg:$0x3];
	s9 =	smul.u32 $0x50000, s1  }
0x7: {  	[smem:$0x7FF] =	sst s3;
	s15 =	sshll.u32 s1, $0x6;
	s7 =	smul.u32 $0x140000, s6  }
0x8: {  	s30 =	sshll.u32 s1, $0x1;
	_ =	strace $0x80000047;
	s15 =	sor.u32 $0x1C01, s15  }
0x9: {  	s9 =	sshrl.u32 s9, $0x2;
	s7 =	sadd.s32 s8, s7;
	s8 =	sor.u32 s6, s30  }
0xa: {  	s6 =	ssub.s32 $0x2, s6;
	s7 =	sshrl.u32 s7, $0x3;
	s8 =	smul.u32 $0x500, s8  }
0xb: {  	s31 =	sshrl.u32 s6, $0x1;
	s10 =	sadd.s32 s7, s4;
	s4 =	sadd.s32 s9, s2  }
0xc: {  	s11 =	ssub.s32 s6, s31;
	s5 =	sadd.s32 s5, s8;
	s6 =	sadd.s32 $0x4000, s4  }
0xd: {  	s7 =	sadd.s32 $0x8000, s4;
	s8 =	sadd.s32 $0xC000, s4;
	s9 =	sadd.s32 $0x10000, s4  }
0xe: {  	v0 =	vimm.f32 $0.0e+00;
	v1 =	vimm.f32 $1.000000000e+00;
	s10 =	sadd.s32 $0x3000, s10;
	s11 =	smax.u32 s11, $0x1;
	s16 =	sshrl.u32 s4, $0x3  }
.LBB2_1:
0xf: {  	[tilespmem:s3], [sflag:$0x1] =	stream.linear.gather [hbm4b:s5+s3], $0x2780, $0x38;
	[tilespmem:$0x1A800] =	vst v63  }
0x10: {  	_ =	swait.ge [sflag:s12], $0x2780  }
0x11: {  	[sflag:s12] =	ssyncset.done $0x0  }
0x12: {  	s18 =	simm.s32 $0x0;
	s19 =	simm.s32 $0x200;
	[sflag:s12] =	ssyncadd.s32 $0xFFFFD880  }
.LBB2_2:
0x13: {  	p0 =	sne.s32 s19, $0xFE00;
	[tilespmem:s18+$0x2870] =	vst v0  }
0x14: {  	[tilespmem:s18+$0x2800] =	vst v0  }
0x15: {  	[tilespmem:s18+$0x2810] =	vst v0  }
.Ltmp0:
0x16: {  	[tilespmem:s18+$0x2820] =	vst v0;
	(pc) =	sbr.rel @p0 .LBB2_2-.Ltmp0, $4  }
0x17: {  	[tilespmem:s18+$0x2830] =	vst v0  }
0x18: {  	[tilespmem:s18+$0x2840] =	vst v0  }
0x19: {  	[tilespmem:s18+$0x2850] =	vst v0  }
0x1a: {  	[tilespmem:s18+$0x2860] =	vst v0;
	s18 =	sshra.s32 s19, $0x2;
	s19 =	sadd.s32 $0x200, s19  }
0x1b: {  	[tilespmem:s18+$0x2870] =	vst v0  }
0x1c: {  	[tilespmem:s18+$0x2800] =	vst v0  }
0x1d: {  	[tilespmem:s18+$0x2810] =	vst v0  }
0x1e: {  	[tilespmem:s18+$0x2820] =	vst v0  }
0x1f: {  	[tilespmem:s18+$0x2830] =	vst v0  }
0x20: {  	[tilespmem:s18+$0x2840] =	vst v0  }
0x21: {  	[tilespmem:s18+$0x2850] =	vst v0  }
0x22: {  	[tilespmem:s18+$0x2860] =	vst v0  }
0x23: {  	[spmem:s4] =	stream.linear.scatter [tilespmem:s13], [sflag:$0x1], $0x4000, $0x38;
	[tilespmem:$0x1A800] =	vst v63  }
0x24: {  	_ =	swait.ge [sflag:s12], $0x4000  }
0x25: {  	[sflag:s12] =	ssyncset.done $0x0  }
0x26: {  	[sflag:s12] =	ssyncadd.s32 $0xFFFFC000  }
0x27: {  	[spmem:s6] =	stream.linear.scatter [tilespmem:s13], [sflag:$0x1], $0x4000, $0x38;
	[tilespmem:$0x1A800] =	vst v63  }
0x28: {  	_ =	swait.ge [sflag:s12], $0x4000  }
0x29: {  	[sflag:s12] =	ssyncset.done $0x0  }
0x2a: {  	[sflag:s12] =	ssyncadd.s32 $0xFFFFC000  }
0x2b: {  	[spmem:s7] =	stream.linear.scatter [tilespmem:s13], [sflag:$0x1], $0x4000, $0x38;
	[tilespmem:$0x1A800] =	vst v63  }
0x2c: {  	_ =	swait.ge [sflag:s12], $0x4000  }
0x2d: {  	[sflag:s12] =	ssyncset.done $0x0  }
0x2e: {  	[sflag:s12] =	ssyncadd.s32 $0xFFFFC000  }
0x2f: {  	[spmem:s8] =	stream.linear.scatter [tilespmem:s13], [sflag:$0x1], $0x4000, $0x38;
	[tilespmem:$0x1A800] =	vst v63  }
0x30: {  	_ =	swait.ge [sflag:s12], $0x4000  }
0x31: {  	[sflag:s12] =	ssyncset.done $0x0  }
0x32: {  	[sflag:s12] =	ssyncadd.s32 $0xFFFFC000  }
0x33: {  	[spmem:s9] =	stream.linear.scatter [tilespmem:s13], [sflag:$0x1], $0x4000, $0x38;
	[tilespmem:$0x1A800] =	vst v63  }
0x34: {  	_ =	swait.ge [sflag:s12], $0x4000  }
0x35: {  	[sflag:s12] =	ssyncset.done $0x0  }
0x36: {  	s18 =	simm.s32 $0x0;
	s19 =	simm.s32 $0x200;
	[sflag:s12] =	ssyncadd.s32 $0xFFFFC000  }
.LBB2_4:
0x37: {  	p0 =	sne.s32 s19, $0xFE00;
	[tilespmem:s18+$0x2870] =	vst v1  }
0x38: {  	[tilespmem:s18+$0x2800] =	vst v1  }
0x39: {  	[tilespmem:s18+$0x2810] =	vst v1  }
.Ltmp1:
0x3a: {  	[tilespmem:s18+$0x2820] =	vst v1;
	(pc) =	sbr.rel @p0 .LBB2_4-.Ltmp1, $4  }
0x3b: {  	[tilespmem:s18+$0x2830] =	vst v1  }
0x3c: {  	[tilespmem:s18+$0x2840] =	vst v1  }
0x3d: {  	[tilespmem:s18+$0x2850] =	vst v1  }
0x3e: {  	[tilespmem:s18+$0x2860] =	vst v1;
	s18 =	sshra.s32 s19, $0x2;
	s19 =	sadd.s32 $0x200, s19  }
0x3f: {  	[tilespmem:s18+$0x2870] =	vst v1  }
0x40: {  	[tilespmem:s18+$0x2800] =	vst v1  }
0x41: {  	[tilespmem:s18+$0x2810] =	vst v1  }
0x42: {  	[tilespmem:s18+$0x2820] =	vst v1  }
0x43: {  	[tilespmem:s18+$0x2830] =	vst v1  }
0x44: {  	[tilespmem:s18+$0x2840] =	vst v1  }
0x45: {  	[tilespmem:s18+$0x2850] =	vst v1  }
0x46: {  	[tilespmem:s18+$0x2860] =	vst v1  }
0x47: {  	s31 =	simm.s32 $0x0;
	[bflag:$0x0] =	sbarrier.arrive $0xFFFF  }
0x48: {  	[spmem:s2] =	stream.indirect.scatter.add.f32 [tilespmem:s13], [sflag:$0x1], $0x80, s31, s14, $0xb8;
	[tilespmem:$0x1A800] =	vst v63  }
0x49: {  	_ =	swait.ge [sflag:s12], $0x4000  }
0x4a: {  	s18 =	simm.s32 $0x200;
	[sflag:s12] =	ssyncset.done $0x0  }
.LBB2_6:
0x4b: {  	s19 =	sshra.s32 s18, $0x2;
	[sflag:s12] =	ssyncadd.s32 $0xFFFFC000;
	p0 =	sne.s32 s18, $0x9C00  }
0x4c: {  	[spmem:s2] =	stream.indirect.scatter.add.f32 [tilespmem:s13], [sflag:$0x1], $0x80, s19, s14, $0xb8;
	[tilespmem:$0x1A800] =	vst v63  }
.Ltmp2:
0x4d: {  	_ = 	snop;
	(pc) =	sbr.rel @p0 .LBB2_6-.Ltmp2, $4  }
0x4e: {  	_ = 	snop  }
0x4f: {  	s18 =	sadd.s32 $0x200, s18  }
0x50: {  	_ =	swait.ge [sflag:s12], $0x4000  }
0x51: {  	[sflag:s12] =	ssyncset.done $0x0  }
0x52: {  	s17 =	sadd.s32 $0x1, s17  }
0x53: {  	[sflag:s12] =	ssyncadd.s32 $0xFFFFC000;
	p0 =	sne.s32 s17, s11  }
.Ltmp3:
0x54: {  	[bflag:$0x0] =	sbarrier.arrive $0xFFFF;
	(pc) =	sbr.rel @p0 .LBB2_1-.Ltmp3, $4  }
0x55: {  	[hbm:s10], [sflag:s15] =	dma.local [spmem:s16], $0x2800  }
0x56: {  	_ =	swait.ge [sflag:s12], $0x2800  }
0x57: {  	[sflag:s12] =	ssyncset.done $0x0  }
0x58: {  	[sflag:s12] =	ssyncadd.s32 $0xFFFFD800  }
0x59: {  	_ =	sfence.sel $0x180000  }
0x5a: {  	[bflag:$0x0] =	sbarrier.arrive $0xFFFF  }
0x5b: {  	p0 =	sne.s32 s1, $0x0;
	_ =	strace $0x90000047  }
0x5c: {  	s0 =	sadd.s32 @!p0 $0x100000, s0;
	[bflag:$0x2] =	sbarrier.arrive $0xFFFF  }
0x5d: {  	[sflag:s0] =	ssyncadd.tile.s32 @!p0 $0x1;
	_ =	shalt  }
.Lfunc_end2:
_tile_overlayer_lowered:
.L_overlay_start_2:
0x5e: {  	(tag) =	ssettag $0x2  }
0x5f: {  	s0 =	rddreg [dreg:$0x0];
	s2 =	stileid.u32  }
0x60: {  	s1 =	rddreg [dreg:$0x1];
	p0 =	sne.s32 s2, $0x0  }
0x61: {  	s3 =	rddreg [dreg:$0x2];
	[bflag:$0x3] =	sbarrier.arrive $0xFFFF;
	s2 =	simm.s32 @!p0 $0x1C01  }
0x62: {  	[timem:s3], [sflag:s2] =	dma.local @!p0 [hbm:s0], s1  }
0x63: {  	s0 =	simm.s32 @!p0 $0x1  }
0x64: {  	_ =	swait.ge @!p0 [sflag:s0], s1  }
0x65: {  	s1 =	ssub.s32 @!p0 $0x0, s1;
	[sflag:s0] =	ssyncset.done @!p0 $0x0  }
0x66: {  	[sflag:s0] =	ssyncadd.s32 @!p0 s1  }
0x67: {  	[bflag:$0x3] =	sbarrier.arrive $0xFFFF  }
0x68: {  	_ =	shalt  }

// kernel: kernel.13.cloned.1.call-start
scs
__scs_entry_jumppad:
0x0: {  	(pc) =	sbr.rel $0x88, $3  }
0x1: {  	(tag) =	ssettag $0x0;
	lr =	simm.s32 $0x1  }
0x2: {  	[smem:$0x3F99] =	sst lr;
	_ =	strace $0xD0000000  }
0x3: {  	_ = 	snop  }
0x4: {  	_ = 	snop  }
0x5: {  	_ = 	snop  }
0x6: {  	_ = 	snop  }
0x7: {  	_ = 	snop  }
__scs_overlays_trampoline_lowered:
0x8: {  	[smem:$0x3FA8] =	sst s0  }
0x9: {  	[smem:$0x3FA9] =	sst s1  }
0xa: {  	[smem:$0x3FAA] =	sst s2  }
0xb: {  	[smem:$0x3FAB] =	sst s3  }
0xc: {  	[smem:$0x3FAC] =	sst s4  }
0xd: {  	[smem:$0x3FAD] =	sst s5  }
0xe: {  	[smem:$0x3FAE] =	sst s6  }
0xf: {  	[smem:$0x3FAF] =	sst s7  }
0x10: {  	[smem:$0x3FB0] =	sst s8  }
0x11: {  	[smem:$0x3FB1] =	sst s9;
	s0 =	simm.s32 @!p0 $0x0  }
0x12: {  	s1 =	sld [smem:$0x3F97];
	s0 =	simm.s32 @p0 $0x1  }
0x13: {  	[smem:$0x3FB2] =	sst s0;
	s0 =	simm.s32 @!p1 $0x0  }
0x14: {  	s2 =	sld [smem:$0x3F96];
	s0 =	simm.s32 @p1 $0x1  }
0x15: {  	[smem:$0x3FB3] =	sst s0;
	s0 =	simm.s32 @!p2 $0x0  }
0x16: {  	s3 =	sld [smem:$0x3FDB];
	s0 =	simm.s32 @p2 $0x1  }
0x17: {  	s4 =	simm.s32 $0x1BF5;
	[smem:$0x3FB5] =	sst s0  }
0x18: {  	s0 =	sld [smem:$0x3F98];
	_ =	swait.ge [sflag:s4], $0x0  }
0x19: {  	s7 =	sld [smem:$0x3F99]  }
0x1a: {  	s8 =	sadd.s32 $0xFFFFE003, lr  }
0x1b: {  	s9 =	sadd.s32 $0xFFFFFEF7, lr;
	s5 =	simm.s32 $0xFFFFFFFF;
	p2 =	slt.u32 s8, $0xFFFFF086  }
0x1c: {  	p1 =	slt.u32 s9, $0xF7A;
	s5 =	simm.s32 @!p2 $0x0  }
0x1d: {  	s5 =	simm.s32 @p1 $0x1;
	p0 =	seq.s32 s7, s2  }
0x1e: {  	s7 =	smul.u32 @!p0 $0xF7A, s2;
	p2 =	seq.s32 @!p0 s5, $0x0  }
0x1f: {  	s9 =	smul.u32 $0xF7A, s1;
	s8 =	simm.s32 @!p0 $0x1BF5;
	p2 =	por !p2, p0  }
0x20: {  	[sflag:s8] =	ssyncset.s32 @!p0 $0xFFFFF086;
	s6 =	sadd.s32 @!p0 s3, s7;
	s7 =	simm.s32 @!p0 $0x108  }
0x21: {  	s3 =	sadd.s32 s3, s9;
	s6 =	sadd.s32 @!p0 $0x88, s6;
	s7 =	simm.s32 @p2 $0x1082  }
0x22: {  	[simem:s7], [sflag:s8] =	dma.local @!p0 [hbm:s6], $0xF7A  }
0x23: {  	s9 =	sor.u32 $0xD0000000, s2;
	s6 =	simm.s32 $0x108;
	_ =	swait.ge @!p0 [sflag:s8], $0x0  }
0x24: {  	s3 =	sadd.s32 $0x88, s3;
	s6 =	simm.s32 @!p1 $0x1082;
	[sflag:s4] =	ssyncset.s32 $0xFFFFF086  }
0x25: {  	[simem:s6], [sflag:s4] =	dma.local [hbm:s3], $0xF7A  }
0x26: {  	[smem:$0x3F99] =	sst s1;
	(tag) =	ssettag s2;
	_ =	strace s9  }
0x27: {  	s1 =	sld [smem:$0x3FA9]  }
0x28: {  	s2 =	sld [smem:$0x3FAA]  }
0x29: {  	s4 =	sld [smem:$0x3FAC]  }
0x2a: {  	p0 =	seq.s32 s5, $0x0;
	s5 =	sld [smem:$0x3FAD]  }
0x2b: {  	s6 =	sld [smem:$0x3FAE]  }
0x2c: {  	s7 =	sld [smem:$0x3FAF]  }
0x2d: {  	s3 =	simm.s32 $0x108;
	s8 =	sld [smem:$0x3FB0]  }
0x2e: {  	s3 =	simm.s32 @!p0 $0x1082;
	s9 =	sld [smem:$0x3FB1]  }
0x2f: {  	lr =	sadd.s32 s0, s3;
	s0 =	sld [smem:$0x3FA8]  }
0x30: {  	s3 =	sld [smem:$0x3FAB]  }
0x31: {  	[smem:$0x3FB4] =	sst s10  }
0x32: {  	s10 =	sld [smem:$0x3FB2];
	_ =	sdelay $0x3  }
0x33: {  	p0 =	seq.s32 s10, $0x1;
	s10 =	sld [smem:$0x3FB4];
	_ =	sdelay $0x3  }
0x34: {  	[smem:$0x3FB4] =	sst s10  }
0x35: {  	s10 =	sld [smem:$0x3FB3];
	_ =	sdelay $0x3  }
0x36: {  	p1 =	seq.s32 s10, $0x1;
	s10 =	sld [smem:$0x3FB4];
	_ =	sdelay $0x3  }
0x37: {  	[smem:$0x3FB4] =	sst s10  }
0x38: {  	s10 =	sld [smem:$0x3FB5]  }
0x39: {  	_ = 	snop;
	(pc) =	sbr.ind lr, $3  }
0x3a: {  	_ = 	snop  }
0x3b: {  	_ = 	snop  }
0x3c: {  	p2 =	seq.s32 s10, $0x1;
	s10 =	sld [smem:$0x3FB4]  }
0x3d: {  	_ =	shalt  }
0x3e: {  	_ =	shalt  }
0x3f: {  	_ =	shalt  }
0x40: {  	_ =	shalt  }
0x41: {  	_ =	shalt  }
0x42: {  	_ =	shalt  }
0x43: {  	_ =	shalt  }
0x44: {  	_ =	shalt  }
0x45: {  	_ =	shalt  }
0x46: {  	_ =	shalt  }
0x47: {  	_ =	shalt  }
0x48: {  	_ =	shalt  }
0x49: {  	_ =	shalt  }
0x4a: {  	_ =	shalt  }
0x4b: {  	_ =	shalt  }
0x4c: {  	_ =	shalt  }
0x4d: {  	_ =	shalt  }
0x4e: {  	_ =	shalt  }
0x4f: {  	_ =	shalt  }
0x50: {  	_ =	shalt  }
0x51: {  	_ =	shalt  }
0x52: {  	_ =	shalt  }
0x53: {  	_ =	shalt  }
0x54: {  	_ =	shalt  }
0x55: {  	_ =	shalt  }
0x56: {  	_ =	shalt  }
0x57: {  	_ =	shalt  }
0x58: {  	_ =	shalt  }
0x59: {  	_ =	shalt  }
0x5a: {  	_ =	shalt  }
0x5b: {  	_ =	shalt  }
0x5c: {  	_ =	shalt  }
0x5d: {  	_ =	shalt  }
0x5e: {  	_ =	shalt  }
0x5f: {  	_ =	shalt  }
0x60: {  	_ =	shalt  }
0x61: {  	_ =	shalt  }
0x62: {  	_ =	shalt  }
0x63: {  	_ =	shalt  }
0x64: {  	_ =	shalt  }
0x65: {  	_ =	shalt  }
0x66: {  	_ =	shalt  }
0x67: {  	_ =	shalt  }
0x68: {  	_ =	shalt  }
0x69: {  	_ =	shalt  }
0x6a: {  	_ =	shalt  }
0x6b: {  	_ =	shalt  }
0x6c: {  	_ =	shalt  }
0x6d: {  	_ =	shalt  }
0x6e: {  	_ =	shalt  }
0x6f: {  	_ =	shalt  }
0x70: {  	_ =	shalt  }
0x71: {  	_ =	shalt  }
0x72: {  	_ =	shalt  }
0x73: {  	_ =	shalt  }
0x74: {  	_ =	shalt  }
0x75: {  	_ =	shalt  }
0x76: {  	_ =	shalt  }
0x77: {  	_ =	shalt  }
0x78: {  	_ =	shalt  }
0x79: {  	_ =	shalt  }
0x7a: {  	_ =	shalt  }
0x7b: {  	_ =	shalt  }
0x7c: {  	_ =	shalt  }
0x7d: {  	_ =	shalt  }
0x7e: {  	_ =	shalt  }
0x7f: {  	_ =	shalt  }
0x80: {  	_ =	shalt  }
0x81: {  	_ =	shalt  }
0x82: {  	_ =	shalt  }
0x83: {  	_ =	shalt  }
0x84: {  	_ =	shalt  }
0x85: {  	_ =	shalt  }
0x86: {  	_ =	shalt  }
0x87: {  	_ =	shalt  }
.Lfunc_end0:
.L_simem_size_0:
called_computation.1_lowered:
.L_overlay_start_0:
0x88: {  	s2 =	sld [smem:$0x3FD9]  }
0x89: {  	s3 =	sld [smem:$0x3FFE];
	_ =	sdelay $0x1  }
0x8a: {  	s1 =	srdreg.scid  }
0x8b: {  	s0 =	sand.u32 $0x1, s1  }
0x8c: {  	s17 =	sshll.u32 s0, $0xA;
	s2 =	sadd.s32 s3, s2  }
0x8d: {  	s2 =	sadd.s32 s2, s17  }
0x8e: {  	[smem:$0x3FC0] =	sst s2  }
0x8f: {  	_ = 	snop  }
0x90: {  	s2 =	sld [smem:$0x3FD0];
	(tm) =	ssettm $0x1  }
0x91: {  	s18 =	sld [smem:$0x3FFB];
	_ =	sdelay $0x3  }
0x92: {  	_ =	strace s18  }
0x93: {  	s3 =	sld [smem:$0x3FFC];
	_ =	sdelay $0x3  }
0x94: {  	_ =	strace s3  }
0x95: {  	s3 =	sld [smem:$0x3FFD];
	_ =	sdelay $0x3  }
0x96: {  	_ =	strace s3  }
0x97: {  	_ =	strace $0x8FFFFFFF  }
0x98: {  	s19 =	sld [smem:$0x3FDB];
	_ =	sdelay $0x1  }
0x99: {  	s4 =	simm.s32 $_scs_section_size  }
0x9a: {  	s5 =	simm.s32 $_size__tile_overlayer_lowered;
	s6 =	simm.s32 $_tile_overlayer_lowered  }
0x9b: {  	s22 =	simm.s32 $0x1BFF;
	s21 =	sshll.u32 s6, $0x1;
	s3 =	sadd.s32 s4, s19  }
0x9c: {  	s7 =	simm.s32 $0x0;
	s20 =	sshll.u32 s5, $0x1;
	s5 =	sadd.s32 s21, s3  }
0x9d: {  	[timem:s7], [sflag:s22] =	dma.local [hbm:s5], s20  }
0x9e: {  	_ =	swait.ge [sflag:s22], s20  }
0x9f: {  	s4 =	ssub.s32 $0x0, s20;
	[sflag:s22] =	ssyncset.done $0x0  }
0xa0: {  	[sflag:s22] =	ssyncadd.s32 s4;
	_ =	sdelay $0x1  }
0xa1: {  	s23 =	simm.s32 $0x1B8B  }
0xa2: {  	_ =	swait.ge [sflag:s23], $0x1  }
0xa3: {  	[sflag:s23] =	ssyncset.done $0x0  }
0xa4: {  	s25 =	simm.s32 $0x1B8E;
	s24 =	sld [smem:$0x3FFE];
	[sflag:s23] =	ssyncadd.s32 $0xFFFFFFFF  }
0xa5: {  	s26 =	simm.s32 $execute0_lowered;
	[smem:$0x3FD2] =	sst s25  }
0xa6: {  	s5 =	sshll.u32 s26, $0x1;
	_ =	strace $0x80000049;
	[dreg:$0x1] =	wrdreg $0xFFFFFFFF  }
0xa7: {  	s28 =	simm.s32 $_size_execute0_lowered;
	s3 =	sadd.s32 s3, s5;
	[dreg:$0x0] =	wrdreg $0x0  }
0xa8: {  	s5 =	sshll.u32 s28, $0x1;
	[dreg:$0x2] =	wrdreg s3  }
0xa9: {  	[dreg:$0x3] =	wrdreg s5  }
0xaa: {  	[dreg:$0x4] =	wrdreg $0xC0  }
0xab: {  	_ =	task [dreg:s7], $0x5FFFF  }
0xac: {  	[dreg:$0x1] =	wrdreg $0xFFFFFFFF  }
0xad: {  	[dreg:$0x0] =	wrdreg $0x60  }
0xae: {  	[dreg:$0x2] =	wrdreg s24  }
0xaf: {  	[dreg:$0x3] =	wrdreg s2  }
0xb0: {  	[dreg:$0x4] =	wrdreg $0x90000  }
0xb1: {  	[dreg:$0x5] =	wrdreg $0x9  }
0xb2: {  	_ =	task.clear_ibuf [dreg:s7], $0x6FFFF;
	_ =	strace $0x90000049  }
0xb3: {  	s29 =	simm.s32 $0x9;
	_ =	strace $0x8000004B  }
0xb4: {  	_ =	swait.ge [sflag:s29], $0x1  }
0xb5: {  	[sflag:s29] =	ssyncadd.s32 $0xFFFFFFFF  }
0xb6: {  	_ =	strace $0x9000004B  }
0xb7: {  	_ =	sfence  }
0xb8: {  	s30 =	sld [smem:$0x0];
	_ =	sdelay $0x2  }
0xb9: {  	s31 =	sshll.u32 s1, $0xD;
	s1 =	sshrl.u32 s1, $0x2  }
0xba: {  	s3 =	sand.u32 $0x4000, s31;
	s1 =	sadd.s32 s1, s30  }
0xbb: {  	s0 =	sor.u32 s3, s0;
	s1 =	sshll.u32 s1, $0x11  }
0xbc: {  	s0 =	sor.u32 s1, s0  }
0xbd: {  	s0 =	sadd.s32 $0x8F2B, s0  }
0xbe: {  	[sflag:s0] =	ssyncadd.remote.s32 $0x1  }
0xbf: {  	_ =	sfence.sel $0xFFFF  }
0xc0: {  	[dreg:$0x0] =	wrdreg $0xFFFFFFFF;
	(pc) =	sbr.abs _section_cstart, $3  }
0xc1: {  	[dreg:$0x1] =	wrdreg $0xFFFFFFFF  }
0xc2: {  	_ =	task.clear_ibuf [dreg:s7], $0x2FFFF;
	_ =	strace $0x9FFFFFFF  }
0xc3: {  	(tm) =	ssettm $0x7FFFFFFF  }
tec
execute0_lowered:
.L_overlay_start_1:
0x0: {  	(tag) =	ssettag $0x1  }
0x1: {  	s5 =	rddreg [dreg:$0x0]  }
0x2: {  	s6 =	rddreg [dreg:$0x1]  }
0x3: {  	s2 =	rddreg [dreg:$0x2];
	s3 =	srdreg.scid  }
0x4: {  	s0 =	rddreg [dreg:$0x3];
	s1 =	stileid.u32;
	s15 =	simm.s32 $0x2800  }
0x5: {  	s16 =	simm.s32 $0x5000;
	s17 =	simm.s32 $0x80;
	s18 =	simm.s32 $0x1  }
0x6: {  	s21 =	simm.s32 $0x0;
	s7 =	sand.u32 $0x1, s3;
	s10 =	smul.u32 $0x14000, s1  }
0x7: {  	s3 =	simm.s32 $0x0;
	s4 =	sshll.u32 s1, $0x1;
	s30 =	smul.u32 $0x50000, s1  }
0x8: {  	s19 =	sshll.u32 s1, $0x6;
	s8 =	smul.u32 $0x140000, s7;
	[smem:$0x7FF] =	sst s3  }
0x9: {  	s9 =	sor.u32 s7, s4;
	s4 =	sadd.s32 $0x5D000, s5;
	s7 =	ssub.s32 $0x2, s7  }
0xa: {  	s19 =	sor.u32 $0x1C02, s19;
	_ =	strace $0x8000004A;
	s9 =	smul.u32 $0x500, s9  }
0xb: {  	s12 =	sshrl.u32 s7, $0x1;
	s31 =	sshrl.u32 s30, $0x2;
	s8 =	sadd.s32 s10, s8  }
0xc: {  	s14 =	ssub.s32 s7, s12;
	s7 =	sadd.s32 s31, s2;
	s11 =	sadd.s32 s9, s5  }
0xd: {  	s8 =	sshrl.u32 s8, $0x3;
	s6 =	sadd.s32 s6, s9;
	s9 =	sadd.s32 $0x8000, s7  }
0xe: {  	s10 =	sadd.s32 $0xC000, s7;
	s20 =	sshrl.u32 s7, $0x3;
	s13 =	sadd.s32 s8, s5  }
0xf: {  	s5 =	sadd.s32 $0x53000, s11;
	s8 =	sadd.s32 $0x4000, s7;
	s11 =	sadd.s32 $0x10000, s7  }
0x10: {  	v0 =	vimm.f32 $0.0e+00;
	s12 =	sadd.s32 $0x85000, s13;
	s13 =	smax.u32 s14, $0x1;
	s14 =	simm.s32 $0x2  }
.LBB2_1:
0x11: {  	[tilespmem:s3], [sflag:$0x2] =	stream.linear.gather [hbm4b:s5+s3], $0x2780, $0x38;
	[tilespmem:$0x1D000] =	vst v63  }
0x12: {  	_ =	swait.ge [sflag:s14], $0x2780  }
0x13: {  	[sflag:s14] =	ssyncset.done $0x0  }
0x14: {  	[sflag:s14] =	ssyncadd.s32 $0xFFFFD880  }
0x15: {  	[tilespmem:s15], [sflag:$0x2] =	stream.linear.gather [hbm4b:s6+s3], $0x2780, $0x38;
	[tilespmem:$0x1D000] =	vst v63  }
0x16: {  	_ =	swait.ge [sflag:s14], $0x2780  }
0x17: {  	[sflag:s14] =	ssyncset.done $0x0  }
0x18: {  	s22 =	simm.s32 $0x0;
	s23 =	simm.s32 $0x200;
	[sflag:s14] =	ssyncadd.s32 $0xFFFFD880  }
.LBB2_2:
0x19: {  	p0 =	sne.s32 s23, $0xFE00;
	[tilespmem:s22+$0x5070] =	vst v0  }
0x1a: {  	[tilespmem:s22+$0x5000] =	vst v0  }
0x1b: {  	[tilespmem:s22+$0x5010] =	vst v0  }
.Ltmp0:
0x1c: {  	[tilespmem:s22+$0x5020] =	vst v0;
	(pc) =	sbr.rel @p0 .LBB2_2-.Ltmp0, $4  }
0x1d: {  	[tilespmem:s22+$0x5030] =	vst v0  }
0x1e: {  	[tilespmem:s22+$0x5040] =	vst v0  }
0x1f: {  	[tilespmem:s22+$0x5050] =	vst v0  }
0x20: {  	[tilespmem:s22+$0x5060] =	vst v0;
	s22 =	sshra.s32 s23, $0x2;
	s23 =	sadd.s32 $0x200, s23  }
0x21: {  	[tilespmem:s22+$0x5070] =	vst v0  }
0x22: {  	[tilespmem:s22+$0x5000] =	vst v0  }
0x23: {  	[tilespmem:s22+$0x5010] =	vst v0  }
0x24: {  	[tilespmem:s22+$0x5020] =	vst v0  }
0x25: {  	[tilespmem:s22+$0x5030] =	vst v0  }
0x26: {  	[tilespmem:s22+$0x5040] =	vst v0  }
0x27: {  	[tilespmem:s22+$0x5050] =	vst v0  }
0x28: {  	[tilespmem:s22+$0x5060] =	vst v0  }
0x29: {  	[spmem:s7] =	stream.linear.scatter [tilespmem:s16], [sflag:$0x2], $0x4000, $0x38;
	[tilespmem:$0x1D000] =	vst v63  }
0x2a: {  	_ =	swait.ge [sflag:s14], $0x4000  }
0x2b: {  	[sflag:s14] =	ssyncset.done $0x0  }
0x2c: {  	[sflag:s14] =	ssyncadd.s32 $0xFFFFC000  }
0x2d: {  	[spmem:s8] =	stream.linear.scatter [tilespmem:s16], [sflag:$0x2], $0x4000, $0x38;
	[tilespmem:$0x1D000] =	vst v63  }
0x2e: {  	_ =	swait.ge [sflag:s14], $0x4000  }
0x2f: {  	[sflag:s14] =	ssyncset.done $0x0  }
0x30: {  	[sflag:s14] =	ssyncadd.s32 $0xFFFFC000  }
0x31: {  	[spmem:s9] =	stream.linear.scatter [tilespmem:s16], [sflag:$0x2], $0x4000, $0x38;
	[tilespmem:$0x1D000] =	vst v63  }
0x32: {  	_ =	swait.ge [sflag:s14], $0x4000  }
0x33: {  	[sflag:s14] =	ssyncset.done $0x0  }
0x34: {  	[sflag:s14] =	ssyncadd.s32 $0xFFFFC000  }
0x35: {  	[spmem:s10] =	stream.linear.scatter [tilespmem:s16], [sflag:$0x2], $0x4000, $0x38;
	[tilespmem:$0x1D000] =	vst v63  }
0x36: {  	_ =	swait.ge [sflag:s14], $0x4000  }
0x37: {  	[sflag:s14] =	ssyncset.done $0x0  }
0x38: {  	[sflag:s14] =	ssyncadd.s32 $0xFFFFC000  }
0x39: {  	[spmem:s11] =	stream.linear.scatter [tilespmem:s16], [sflag:$0x2], $0x4000, $0x38;
	[tilespmem:$0x1D000] =	vst v63  }
0x3a: {  	_ =	swait.ge [sflag:s14], $0x4000  }
0x3b: {  	[sflag:s14] =	ssyncset.done $0x0  }
0x3c: {  	[sflag:s14] =	ssyncadd.s32 $0xFFFFC000  }
0x3d: {  	s30 =	simm.s32 $0x0;
	[bflag:$0x0] =	sbarrier.arrive $0xFFFF  }
0x3e: {  	[tilespmem:s16], [sflag:$0x1] =	stream.indirect.gather [hbm4b:s4+s17], $0x80, s30, s17, $0xb8;
	[tilespmem:$0x1D000] =	vst v63  }
0x3f: {  	_ =	swait.ge [sflag:s18], $0x4000  }
0x40: {  	[sflag:s18] =	ssyncset.done $0x0  }
0x41: {  	s31 =	simm.s32 $0x2800;
	[sflag:s18] =	ssyncadd.s32 $0xFFFFC000  }
0x42: {  	[spmem:s2] =	stream.indirect.scatter.add.f32 [tilespmem:s16], [sflag:$0x2], $0x80, s31, s17, $0xb8;
	[tilespmem:$0x1D000] =	vst v63  }
0x43: {  	_ =	swait.ge [sflag:s14], $0x4000  }
0x44: {  	s22 =	simm.s32 $0x200;
	s23 =	simm.s32 $0x400;
	[sflag:s14] =	ssyncset.done $0x0  }
.LBB2_4:
0x45: {  	s24 =	sshra.s32 s22, $0x2  }
0x46: {  	[sflag:s14] =	ssyncadd.s32 $0xFFFFC000;
	s22 =	smov.u32 s23;
	s25 =	sadd.s32 $0x200, s23  }
0x47: {  	[tilespmem:s16], [sflag:$0x1] =	stream.indirect.gather [hbm4b:s4+s17], $0x80, s24, s17, $0xb8;
	[tilespmem:$0x1D000] =	vst v63  }
0x48: {  	p0 =	sne.s32 s23, $0x9C00;
	_ =	swait.ge [sflag:s18], $0x4000  }
.Ltmp1:
0x49: {  	[sflag:s18] =	ssyncset.done $0x0;
	(pc) =	sbr.rel @p0 .LBB2_4-.Ltmp1, $4  }
0x4a: {  	s23 =	sadd.s32 $0x2800, s24;
	[sflag:s18] =	ssyncadd.s32 $0xFFFFC000  }
0x4b: {  	[spmem:s2] =	stream.indirect.scatter.add.f32 [tilespmem:s16], [sflag:$0x2], $0x80, s23, s17, $0xb8;
	[tilespmem:$0x1D000] =	vst v63  }
0x4c: {  	_ =	swait.ge [sflag:s14], $0x4000  }
0x4d: {  	s23 =	smov.u32 s25;
	[sflag:s14] =	ssyncset.done $0x0  }
0x4e: {  	s22 =	sshra.s32 s22, $0x2;
	[sflag:s14] =	ssyncadd.s32 $0xFFFFC000  }
0x4f: {  	[tilespmem:s16], [sflag:$0x1] =	stream.indirect.gather [hbm4b:s4+s17], $0x80, s22, s17, $0xb8;
	[tilespmem:$0x1D000] =	vst v63  }
0x50: {  	_ =	swait.ge [sflag:s18], $0x4000  }
0x51: {  	[sflag:s18] =	ssyncset.done $0x0  }
0x52: {  	s22 =	sadd.s32 $0x2800, s22;
	[sflag:s18] =	ssyncadd.s32 $0xFFFFC000  }
0x53: {  	[spmem:s2] =	stream.indirect.scatter.add.f32 [tilespmem:s16], [sflag:$0x2], $0x80, s22, s17, $0xb8;
	[tilespmem:$0x1D000] =	vst v63  }
0x54: {  	_ =	swait.ge [sflag:s14], $0x4000  }
0x55: {  	s21 =	sadd.s32 $0x1, s21;
	[sflag:s14] =	ssyncset.done $0x0  }
0x56: {  	p0 =	sne.s32 s21, s13;
	[sflag:s14] =	ssyncadd.s32 $0xFFFFC000  }
.Ltmp2:
0x57: {  	[bflag:$0x0] =	sbarrier.arrive $0xFFFF;
	(pc) =	sbr.rel @p0 .LBB2_1-.Ltmp2, $4  }
0x58: {  	[hbm:s12], [sflag:s19] =	dma.local [spmem:s20], $0x2800  }
0x59: {  	_ =	swait.ge [sflag:s14], $0x2800  }
0x5a: {  	[sflag:s14] =	ssyncset.done $0x0  }
0x5b: {  	[sflag:s14] =	ssyncadd.s32 $0xFFFFD800  }
0x5c: {  	_ =	sfence.sel $0x180000  }
0x5d: {  	[bflag:$0x0] =	sbarrier.arrive $0xFFFF  }
0x5e: {  	p0 =	sne.s32 s1, $0x0;
	_ =	strace $0x9000004A  }
0x5f: {  	s0 =	sadd.s32 @!p0 $0x100000, s0;
	[bflag:$0x2] =	sbarrier.arrive $0xFFFF  }
0x60: {  	[sflag:s0] =	ssyncadd.tile.s32 @!p0 $0x1;
	_ =	shalt  }
.Lfunc_end2:
_tile_overlayer_lowered:
.L_overlay_start_2:
0x61: {  	(tag) =	ssettag $0x2  }
0x62: {  	s0 =	rddreg [dreg:$0x0];
	s2 =	stileid.u32  }
0x63: {  	s1 =	rddreg [dreg:$0x1];
	p0 =	sne.s32 s2, $0x0  }
0x64: {  	s3 =	rddreg [dreg:$0x2];
	[bflag:$0x3] =	sbarrier.arrive $0xFFFF;
	s2 =	simm.s32 @!p0 $0x1C02  }
0x65: {  	[timem:s3], [sflag:s2] =	dma.local @!p0 [hbm:s0], s1  }
0x66: {  	s0 =	simm.s32 @!p0 $0x2  }
0x67: {  	_ =	swait.ge @!p0 [sflag:s0], s1  }
0x68: {  	s1 =	ssub.s32 @!p0 $0x0, s1;
	[sflag:s0] =	ssyncset.done @!p0 $0x0  }
0x69: {  	[sflag:s0] =	ssyncadd.s32 @!p0 s1  }
0x6a: {  	[bflag:$0x3] =	sbarrier.arrive $0xFFFF  }
0x6b: {  	_ =	shalt  }

// kernel: kernel.16.cloned.1.call-start
scs
__scs_entry_jumppad:
0x0: {  	(pc) =	sbr.rel $0x88, $3  }
0x1: {  	(tag) =	ssettag $0x0;
	lr =	simm.s32 $0x1  }
0x2: {  	[smem:$0x3F99] =	sst lr;
	_ =	strace $0xD0000000  }
0x3: {  	_ = 	snop  }
0x4: {  	_ = 	snop  }
0x5: {  	_ = 	snop  }
0x6: {  	_ = 	snop  }
0x7: {  	_ = 	snop  }
__scs_overlays_trampoline_lowered:
0x8: {  	[smem:$0x3FA8] =	sst s0  }
0x9: {  	[smem:$0x3FA9] =	sst s1  }
0xa: {  	[smem:$0x3FAA] =	sst s2  }
0xb: {  	[smem:$0x3FAB] =	sst s3  }
0xc: {  	[smem:$0x3FAC] =	sst s4  }
0xd: {  	[smem:$0x3FAD] =	sst s5  }
0xe: {  	[smem:$0x3FAE] =	sst s6  }
0xf: {  	[smem:$0x3FAF] =	sst s7  }
0x10: {  	[smem:$0x3FB0] =	sst s8  }
0x11: {  	[smem:$0x3FB1] =	sst s9;
	s0 =	simm.s32 @!p0 $0x0  }
0x12: {  	s1 =	sld [smem:$0x3F97];
	s0 =	simm.s32 @p0 $0x1  }
0x13: {  	[smem:$0x3FB2] =	sst s0;
	s0 =	simm.s32 @!p1 $0x0  }
0x14: {  	s2 =	sld [smem:$0x3F96];
	s0 =	simm.s32 @p1 $0x1  }
0x15: {  	[smem:$0x3FB3] =	sst s0;
	s0 =	simm.s32 @!p2 $0x0  }
0x16: {  	s3 =	sld [smem:$0x3FDB];
	s0 =	simm.s32 @p2 $0x1  }
0x17: {  	s4 =	simm.s32 $0x1BF5;
	[smem:$0x3FB5] =	sst s0  }
0x18: {  	s0 =	sld [smem:$0x3F98];
	_ =	swait.ge [sflag:s4], $0x0  }
0x19: {  	s7 =	sld [smem:$0x3F99]  }
0x1a: {  	s8 =	sadd.s32 $0xFFFFE003, lr  }
0x1b: {  	s9 =	sadd.s32 $0xFFFFFEF7, lr;
	s5 =	simm.s32 $0xFFFFFFFF;
	p2 =	slt.u32 s8, $0xFFFFF086  }
0x1c: {  	p1 =	slt.u32 s9, $0xF7A;
	s5 =	simm.s32 @!p2 $0x0  }
0x1d: {  	s5 =	simm.s32 @p1 $0x1;
	p0 =	seq.s32 s7, s2  }
0x1e: {  	s7 =	smul.u32 @!p0 $0xF7A, s2;
	p2 =	seq.s32 @!p0 s5, $0x0  }
0x1f: {  	s9 =	smul.u32 $0xF7A, s1;
	s8 =	simm.s32 @!p0 $0x1BF5;
	p2 =	por !p2, p0  }
0x20: {  	[sflag:s8] =	ssyncset.s32 @!p0 $0xFFFFF086;
	s6 =	sadd.s32 @!p0 s3, s7;
	s7 =	simm.s32 @!p0 $0x108  }
0x21: {  	s3 =	sadd.s32 s3, s9;
	s6 =	sadd.s32 @!p0 $0x88, s6;
	s7 =	simm.s32 @p2 $0x1082  }
0x22: {  	[simem:s7], [sflag:s8] =	dma.local @!p0 [hbm:s6], $0xF7A  }
0x23: {  	s9 =	sor.u32 $0xD0000000, s2;
	s6 =	simm.s32 $0x108;
	_ =	swait.ge @!p0 [sflag:s8], $0x0  }
0x24: {  	s3 =	sadd.s32 $0x88, s3;
	s6 =	simm.s32 @!p1 $0x1082;
	[sflag:s4] =	ssyncset.s32 $0xFFFFF086  }
0x25: {  	[simem:s6], [sflag:s4] =	dma.local [hbm:s3], $0xF7A  }
0x26: {  	[smem:$0x3F99] =	sst s1;
	(tag) =	ssettag s2;
	_ =	strace s9  }
0x27: {  	s1 =	sld [smem:$0x3FA9]  }
0x28: {  	s2 =	sld [smem:$0x3FAA]  }
0x29: {  	s4 =	sld [smem:$0x3FAC]  }
0x2a: {  	p0 =	seq.s32 s5, $0x0;
	s5 =	sld [smem:$0x3FAD]  }
0x2b: {  	s6 =	sld [smem:$0x3FAE]  }
0x2c: {  	s7 =	sld [smem:$0x3FAF]  }
0x2d: {  	s3 =	simm.s32 $0x108;
	s8 =	sld [smem:$0x3FB0]  }
0x2e: {  	s3 =	simm.s32 @!p0 $0x1082;
	s9 =	sld [smem:$0x3FB1]  }
0x2f: {  	lr =	sadd.s32 s0, s3;
	s0 =	sld [smem:$0x3FA8]  }
0x30: {  	s3 =	sld [smem:$0x3FAB]  }
0x31: {  	[smem:$0x3FB4] =	sst s10  }
0x32: {  	s10 =	sld [smem:$0x3FB2];
	_ =	sdelay $0x3  }
0x33: {  	p0 =	seq.s32 s10, $0x1;
	s10 =	sld [smem:$0x3FB4];
	_ =	sdelay $0x3  }
0x34: {  	[smem:$0x3FB4] =	sst s10  }
0x35: {  	s10 =	sld [smem:$0x3FB3];
	_ =	sdelay $0x3  }
0x36: {  	p1 =	seq.s32 s10, $0x1;
	s10 =	sld [smem:$0x3FB4];
	_ =	sdelay $0x3  }
0x37: {  	[smem:$0x3FB4] =	sst s10  }
0x38: {  	s10 =	sld [smem:$0x3FB5]  }
0x39: {  	_ = 	snop;
	(pc) =	sbr.ind lr, $3  }
0x3a: {  	_ = 	snop  }
0x3b: {  	_ = 	snop  }
0x3c: {  	p2 =	seq.s32 s10, $0x1;
	s10 =	sld [smem:$0x3FB4]  }
0x3d: {  	_ =	shalt  }
0x3e: {  	_ =	shalt  }
0x3f: {  	_ =	shalt  }
0x40: {  	_ =	shalt  }
0x41: {  	_ =	shalt  }
0x42: {  	_ =	shalt  }
0x43: {  	_ =	shalt  }
0x44: {  	_ =	shalt  }
0x45: {  	_ =	shalt  }
0x46: {  	_ =	shalt  }
0x47: {  	_ =	shalt  }
0x48: {  	_ =	shalt  }
0x49: {  	_ =	shalt  }
0x4a: {  	_ =	shalt  }
0x4b: {  	_ =	shalt  }
0x4c: {  	_ =	shalt  }
0x4d: {  	_ =	shalt  }
0x4e: {  	_ =	shalt  }
0x4f: {  	_ =	shalt  }
0x50: {  	_ =	shalt  }
0x51: {  	_ =	shalt  }
0x52: {  	_ =	shalt  }
0x53: {  	_ =	shalt  }
0x54: {  	_ =	shalt  }
0x55: {  	_ =	shalt  }
0x56: {  	_ =	shalt  }
0x57: {  	_ =	shalt  }
0x58: {  	_ =	shalt  }
0x59: {  	_ =	shalt  }
0x5a: {  	_ =	shalt  }
0x5b: {  	_ =	shalt  }
0x5c: {  	_ =	shalt  }
0x5d: {  	_ =	shalt  }
0x5e: {  	_ =	shalt  }
0x5f: {  	_ =	shalt  }
0x60: {  	_ =	shalt  }
0x61: {  	_ =	shalt  }
0x62: {  	_ =	shalt  }
0x63: {  	_ =	shalt  }
0x64: {  	_ =	shalt  }
0x65: {  	_ =	shalt  }
0x66: {  	_ =	shalt  }
0x67: {  	_ =	shalt  }
0x68: {  	_ =	shalt  }
0x69: {  	_ =	shalt  }
0x6a: {  	_ =	shalt  }
0x6b: {  	_ =	shalt  }
0x6c: {  	_ =	shalt  }
0x6d: {  	_ =	shalt  }
0x6e: {  	_ =	shalt  }
0x6f: {  	_ =	shalt  }
0x70: {  	_ =	shalt  }
0x71: {  	_ =	shalt  }
0x72: {  	_ =	shalt  }
0x73: {  	_ =	shalt  }
0x74: {  	_ =	shalt  }
0x75: {  	_ =	shalt  }
0x76: {  	_ =	shalt  }
0x77: {  	_ =	shalt  }
0x78: {  	_ =	shalt  }
0x79: {  	_ =	shalt  }
0x7a: {  	_ =	shalt  }
0x7b: {  	_ =	shalt  }
0x7c: {  	_ =	shalt  }
0x7d: {  	_ =	shalt  }
0x7e: {  	_ =	shalt  }
0x7f: {  	_ =	shalt  }
0x80: {  	_ =	shalt  }
0x81: {  	_ =	shalt  }
0x82: {  	_ =	shalt  }
0x83: {  	_ =	shalt  }
0x84: {  	_ =	shalt  }
0x85: {  	_ =	shalt  }
0x86: {  	_ =	shalt  }
0x87: {  	_ =	shalt  }
.Lfunc_end0:
.L_simem_size_0:
called_computation.2_lowered:
.L_overlay_start_0:
0x88: {  	s2 =	sld [smem:$0x3FD9]  }
0x89: {  	s3 =	sld [smem:$0x3FFE];
	_ =	sdelay $0x1  }
0x8a: {  	s1 =	srdreg.scid  }
0x8b: {  	s0 =	sand.u32 $0x1, s1  }
0x8c: {  	s17 =	sshll.u32 s0, $0xA;
	s2 =	sadd.s32 s3, s2  }
0x8d: {  	s2 =	sadd.s32 s2, s17  }
0x8e: {  	[smem:$0x3FC0] =	sst s2  }
0x8f: {  	_ = 	snop  }
0x90: {  	s2 =	sld [smem:$0x3FD0];
	(tm) =	ssettm $0x1  }
0x91: {  	s18 =	sld [smem:$0x3FFB];
	_ =	sdelay $0x3  }
0x92: {  	_ =	strace s18  }
0x93: {  	s3 =	sld [smem:$0x3FFC];
	_ =	sdelay $0x3  }
0x94: {  	_ =	strace s3  }
0x95: {  	s3 =	sld [smem:$0x3FFD];
	_ =	sdelay $0x3  }
0x96: {  	_ =	strace s3  }
0x97: {  	_ =	strace $0x8FFFFFFF  }
0x98: {  	s19 =	sld [smem:$0x3FDB];
	_ =	sdelay $0x1  }
0x99: {  	s4 =	simm.s32 $_scs_section_size  }
0x9a: {  	s5 =	simm.s32 $_size__tile_overlayer_lowered;
	s6 =	simm.s32 $_tile_overlayer_lowered  }
0x9b: {  	s22 =	simm.s32 $0x1BFF;
	s21 =	sshll.u32 s6, $0x1;
	s3 =	sadd.s32 s4, s19  }
0x9c: {  	s7 =	simm.s32 $0x0;
	s20 =	sshll.u32 s5, $0x1;
	s5 =	sadd.s32 s21, s3  }
0x9d: {  	[timem:s7], [sflag:s22] =	dma.local [hbm:s5], s20  }
0x9e: {  	_ =	swait.ge [sflag:s22], s20  }
0x9f: {  	s4 =	ssub.s32 $0x0, s20;
	[sflag:s22] =	ssyncset.done $0x0  }
0xa0: {  	[sflag:s22] =	ssyncadd.s32 s4;
	_ =	sdelay $0x1  }
0xa1: {  	s23 =	simm.s32 $0x1B8B  }
0xa2: {  	_ =	swait.ge [sflag:s23], $0x1  }
0xa3: {  	[sflag:s23] =	ssyncset.done $0x0  }
0xa4: {  	s25 =	simm.s32 $0x1B8E;
	s24 =	sld [smem:$0x3FFE];
	[sflag:s23] =	ssyncadd.s32 $0xFFFFFFFF  }
0xa5: {  	s26 =	simm.s32 $execute0_lowered;
	[smem:$0x3FD2] =	sst s25  }
0xa6: {  	s5 =	sshll.u32 s26, $0x1;
	_ =	strace $0x8000004C;
	[dreg:$0x1] =	wrdreg $0xFFFFFFFF  }
0xa7: {  	s28 =	simm.s32 $_size_execute0_lowered;
	s3 =	sadd.s32 s3, s5;
	[dreg:$0x0] =	wrdreg $0x0  }
0xa8: {  	s5 =	sshll.u32 s28, $0x1;
	[dreg:$0x2] =	wrdreg s3  }
0xa9: {  	[dreg:$0x3] =	wrdreg s5  }
0xaa: {  	[dreg:$0x4] =	wrdreg $0xC0  }
0xab: {  	_ =	task [dreg:s7], $0x5FFFF  }
0xac: {  	[dreg:$0x1] =	wrdreg $0xFFFFFFFF  }
0xad: {  	[dreg:$0x0] =	wrdreg $0x60  }
0xae: {  	[dreg:$0x2] =	wrdreg s24  }
0xaf: {  	[dreg:$0x3] =	wrdreg s2  }
0xb0: {  	[dreg:$0x4] =	wrdreg $0x90000  }
0xb1: {  	[dreg:$0x5] =	wrdreg $0x9  }
0xb2: {  	_ =	task.clear_ibuf [dreg:s7], $0x6FFFF;
	_ =	strace $0x9000004C  }
0xb3: {  	s29 =	simm.s32 $0x9;
	_ =	strace $0x8000004E  }
0xb4: {  	_ =	swait.ge [sflag:s29], $0x1  }
0xb5: {  	[sflag:s29] =	ssyncadd.s32 $0xFFFFFFFF  }
0xb6: {  	_ =	strace $0x9000004E  }
0xb7: {  	_ =	sfence  }
0xb8: {  	s30 =	sld [smem:$0x0];
	_ =	sdelay $0x2  }
0xb9: {  	s31 =	sshll.u32 s1, $0xD;
	s1 =	sshrl.u32 s1, $0x2  }
0xba: {  	s3 =	sand.u32 $0x4000, s31;
	s1 =	sadd.s32 s1, s30  }
0xbb: {  	s0 =	sor.u32 s3, s0;
	s1 =	sshll.u32 s1, $0x11  }
0xbc: {  	s0 =	sor.u32 s1, s0  }
0xbd: {  	s0 =	sadd.s32 $0x8F2B, s0  }
0xbe: {  	[sflag:s0] =	ssyncadd.remote.s32 $0x1  }
0xbf: {  	_ =	sfence.sel $0xFFFF  }
0xc0: {  	[dreg:$0x0] =	wrdreg $0xFFFFFFFF;
	(pc) =	sbr.abs _section_cstart, $3  }
0xc1: {  	[dreg:$0x1] =	wrdreg $0xFFFFFFFF  }
0xc2: {  	_ =	task.clear_ibuf [dreg:s7], $0x2FFFF;
	_ =	strace $0x9FFFFFFF  }
0xc3: {  	(tm) =	ssettm $0x7FFFFFFF  }
tec
execute0_lowered:
.L_overlay_start_1:
0x0: {  	(tag) =	ssettag $0x1  }
0x1: {  	s5 =	rddreg [dreg:$0x0]  }
0x2: {  	s6 =	rddreg [dreg:$0x1]  }
0x3: {  	s2 =	rddreg [dreg:$0x2];
	s3 =	srdreg.scid  }
0x4: {  	s0 =	rddreg [dreg:$0x3];
	s1 =	stileid.u32;
	s15 =	simm.s32 $0x2800  }
0x5: {  	s16 =	simm.s32 $0x5000;
	s17 =	simm.s32 $0x80;
	s18 =	simm.s32 $0x1  }
0x6: {  	s21 =	simm.s32 $0x0;
	s7 =	sand.u32 $0x1, s3;
	s10 =	smul.u32 $0x14000, s1  }
0x7: {  	s3 =	simm.s32 $0x0;
	s4 =	sshll.u32 s1, $0x1;
	s30 =	smul.u32 $0x50000, s1  }
0x8: {  	s19 =	sshll.u32 s1, $0x6;
	s8 =	smul.u32 $0x140000, s7;
	[smem:$0x7FF] =	sst s3  }
0x9: {  	s9 =	sor.u32 s7, s4;
	s4 =	sadd.s32 $0x5D000, s5;
	s7 =	ssub.s32 $0x2, s7  }
0xa: {  	s19 =	sor.u32 $0x1C02, s19;
	_ =	strace $0x8000004D;
	s9 =	smul.u32 $0x500, s9  }
0xb: {  	s12 =	sshrl.u32 s7, $0x1;
	s31 =	sshrl.u32 s30, $0x2;
	s8 =	sadd.s32 s10, s8  }
0xc: {  	s14 =	ssub.s32 s7, s12;
	s7 =	sadd.s32 s31, s2;
	s11 =	sadd.s32 s9, s5  }
0xd: {  	s8 =	sshrl.u32 s8, $0x3;
	s6 =	sadd.s32 s6, s9;
	s9 =	sadd.s32 $0x8000, s7  }
0xe: {  	s10 =	sadd.s32 $0xC000, s7;
	s20 =	sshrl.u32 s7, $0x3;
	s13 =	sadd.s32 s8, s5  }
0xf: {  	s5 =	sadd.s32 $0x53000, s11;
	s8 =	sadd.s32 $0x4000, s7;
	s11 =	sadd.s32 $0x10000, s7  }
0x10: {  	v0 =	vimm.f32 $0.0e+00;
	s12 =	sadd.s32 $0x85000, s13;
	s13 =	smax.u32 s14, $0x1;
	s14 =	simm.s32 $0x2  }
.LBB2_1:
0x11: {  	[tilespmem:s3], [sflag:$0x2] =	stream.linear.gather [hbm4b:s5+s3], $0x2780, $0x38;
	[tilespmem:$0x1D000] =	vst v63  }
0x12: {  	_ =	swait.ge [sflag:s14], $0x2780  }
0x13: {  	[sflag:s14] =	ssyncset.done $0x0  }
0x14: {  	[sflag:s14] =	ssyncadd.s32 $0xFFFFD880  }
0x15: {  	[tilespmem:s15], [sflag:$0x2] =	stream.linear.gather [hbm4b:s6+s3], $0x2780, $0x38;
	[tilespmem:$0x1D000] =	vst v63  }
0x16: {  	_ =	swait.ge [sflag:s14], $0x2780  }
0x17: {  	[sflag:s14] =	ssyncset.done $0x0  }
0x18: {  	s22 =	simm.s32 $0x0;
	s23 =	simm.s32 $0x200;
	[sflag:s14] =	ssyncadd.s32 $0xFFFFD880  }
.LBB2_2:
0x19: {  	p0 =	sne.s32 s23, $0xFE00;
	[tilespmem:s22+$0x5070] =	vst v0  }
0x1a: {  	[tilespmem:s22+$0x5000] =	vst v0  }
0x1b: {  	[tilespmem:s22+$0x5010] =	vst v0  }
.Ltmp0:
0x1c: {  	[tilespmem:s22+$0x5020] =	vst v0;
	(pc) =	sbr.rel @p0 .LBB2_2-.Ltmp0, $4  }
0x1d: {  	[tilespmem:s22+$0x5030] =	vst v0  }
0x1e: {  	[tilespmem:s22+$0x5040] =	vst v0  }
0x1f: {  	[tilespmem:s22+$0x5050] =	vst v0  }
0x20: {  	[tilespmem:s22+$0x5060] =	vst v0;
	s22 =	sshra.s32 s23, $0x2;
	s23 =	sadd.s32 $0x200, s23  }
0x21: {  	[tilespmem:s22+$0x5070] =	vst v0  }
0x22: {  	[tilespmem:s22+$0x5000] =	vst v0  }
0x23: {  	[tilespmem:s22+$0x5010] =	vst v0  }
0x24: {  	[tilespmem:s22+$0x5020] =	vst v0  }
0x25: {  	[tilespmem:s22+$0x5030] =	vst v0  }
0x26: {  	[tilespmem:s22+$0x5040] =	vst v0  }
0x27: {  	[tilespmem:s22+$0x5050] =	vst v0  }
0x28: {  	[tilespmem:s22+$0x5060] =	vst v0  }
0x29: {  	[spmem:s7] =	stream.linear.scatter [tilespmem:s16], [sflag:$0x2], $0x4000, $0x38;
	[tilespmem:$0x1D000] =	vst v63  }
0x2a: {  	_ =	swait.ge [sflag:s14], $0x4000  }
0x2b: {  	[sflag:s14] =	ssyncset.done $0x0  }
0x2c: {  	[sflag:s14] =	ssyncadd.s32 $0xFFFFC000  }
0x2d: {  	[spmem:s8] =	stream.linear.scatter [tilespmem:s16], [sflag:$0x2], $0x4000, $0x38;
	[tilespmem:$0x1D000] =	vst v63  }
0x2e: {  	_ =	swait.ge [sflag:s14], $0x4000  }
0x2f: {  	[sflag:s14] =	ssyncset.done $0x0  }
0x30: {  	[sflag:s14] =	ssyncadd.s32 $0xFFFFC000  }
0x31: {  	[spmem:s9] =	stream.linear.scatter [tilespmem:s16], [sflag:$0x2], $0x4000, $0x38;
	[tilespmem:$0x1D000] =	vst v63  }
0x32: {  	_ =	swait.ge [sflag:s14], $0x4000  }
0x33: {  	[sflag:s14] =	ssyncset.done $0x0  }
0x34: {  	[sflag:s14] =	ssyncadd.s32 $0xFFFFC000  }
0x35: {  	[spmem:s10] =	stream.linear.scatter [tilespmem:s16], [sflag:$0x2], $0x4000, $0x38;
	[tilespmem:$0x1D000] =	vst v63  }
0x36: {  	_ =	swait.ge [sflag:s14], $0x4000  }
0x37: {  	[sflag:s14] =	ssyncset.done $0x0  }
0x38: {  	[sflag:s14] =	ssyncadd.s32 $0xFFFFC000  }
0x39: {  	[spmem:s11] =	stream.linear.scatter [tilespmem:s16], [sflag:$0x2], $0x4000, $0x38;
	[tilespmem:$0x1D000] =	vst v63  }
0x3a: {  	_ =	swait.ge [sflag:s14], $0x4000  }
0x3b: {  	[sflag:s14] =	ssyncset.done $0x0  }
0x3c: {  	[sflag:s14] =	ssyncadd.s32 $0xFFFFC000  }
0x3d: {  	s30 =	simm.s32 $0x0;
	[bflag:$0x0] =	sbarrier.arrive $0xFFFF  }
0x3e: {  	[tilespmem:s16], [sflag:$0x1] =	stream.indirect.gather [hbm4b:s4+s17], $0x80, s30, s17, $0xb8;
	[tilespmem:$0x1D000] =	vst v63  }
0x3f: {  	_ =	swait.ge [sflag:s18], $0x4000  }
0x40: {  	[sflag:s18] =	ssyncset.done $0x0  }
0x41: {  	s31 =	simm.s32 $0x2800;
	[sflag:s18] =	ssyncadd.s32 $0xFFFFC000  }
0x42: {  	[spmem:s2] =	stream.indirect.scatter.add.f32 [tilespmem:s16], [sflag:$0x2], $0x80, s31, s17, $0xb8;
	[tilespmem:$0x1D000] =	vst v63  }
0x43: {  	_ =	swait.ge [sflag:s14], $0x4000  }
0x44: {  	s22 =	simm.s32 $0x200;
	s23 =	simm.s32 $0x400;
	[sflag:s14] =	ssyncset.done $0x0  }
.LBB2_4:
0x45: {  	s24 =	sshra.s32 s22, $0x2  }
0x46: {  	[sflag:s14] =	ssyncadd.s32 $0xFFFFC000;
	s22 =	smov.u32 s23;
	s25 =	sadd.s32 $0x200, s23  }
0x47: {  	[tilespmem:s16], [sflag:$0x1] =	stream.indirect.gather [hbm4b:s4+s17], $0x80, s24, s17, $0xb8;
	[tilespmem:$0x1D000] =	vst v63  }
0x48: {  	p0 =	sne.s32 s23, $0x9C00;
	_ =	swait.ge [sflag:s18], $0x4000  }
.Ltmp1:
0x49: {  	[sflag:s18] =	ssyncset.done $0x0;
	(pc) =	sbr.rel @p0 .LBB2_4-.Ltmp1, $4  }
0x4a: {  	s23 =	sadd.s32 $0x2800, s24;
	[sflag:s18] =	ssyncadd.s32 $0xFFFFC000  }
0x4b: {  	[spmem:s2] =	stream.indirect.scatter.add.f32 [tilespmem:s16], [sflag:$0x2], $0x80, s23, s17, $0xb8;
	[tilespmem:$0x1D000] =	vst v63  }
0x4c: {  	_ =	swait.ge [sflag:s14], $0x4000  }
0x4d: {  	s23 =	smov.u32 s25;
	[sflag:s14] =	ssyncset.done $0x0  }
0x4e: {  	s22 =	sshra.s32 s22, $0x2;
	[sflag:s14] =	ssyncadd.s32 $0xFFFFC000  }
0x4f: {  	[tilespmem:s16], [sflag:$0x1] =	stream.indirect.gather [hbm4b:s4+s17], $0x80, s22, s17, $0xb8;
	[tilespmem:$0x1D000] =	vst v63  }
0x50: {  	_ =	swait.ge [sflag:s18], $0x4000  }
0x51: {  	[sflag:s18] =	ssyncset.done $0x0  }
0x52: {  	s22 =	sadd.s32 $0x2800, s22;
	[sflag:s18] =	ssyncadd.s32 $0xFFFFC000  }
0x53: {  	[spmem:s2] =	stream.indirect.scatter.add.f32 [tilespmem:s16], [sflag:$0x2], $0x80, s22, s17, $0xb8;
	[tilespmem:$0x1D000] =	vst v63  }
0x54: {  	_ =	swait.ge [sflag:s14], $0x4000  }
0x55: {  	s21 =	sadd.s32 $0x1, s21;
	[sflag:s14] =	ssyncset.done $0x0  }
0x56: {  	p0 =	sne.s32 s21, s13;
	[sflag:s14] =	ssyncadd.s32 $0xFFFFC000  }
.Ltmp2:
0x57: {  	[bflag:$0x0] =	sbarrier.arrive $0xFFFF;
	(pc) =	sbr.rel @p0 .LBB2_1-.Ltmp2, $4  }
0x58: {  	[hbm:s12], [sflag:s19] =	dma.local [spmem:s20], $0x2800  }
0x59: {  	_ =	swait.ge [sflag:s14], $0x2800  }
0x5a: {  	[sflag:s14] =	ssyncset.done $0x0  }
0x5b: {  	[sflag:s14] =	ssyncadd.s32 $0xFFFFD800  }
0x5c: {  	_ =	sfence.sel $0x180000  }
0x5d: {  	[bflag:$0x0] =	sbarrier.arrive $0xFFFF  }
0x5e: {  	p0 =	sne.s32 s1, $0x0;
	_ =	strace $0x9000004D  }
0x5f: {  	s0 =	sadd.s32 @!p0 $0x100000, s0;
	[bflag:$0x2] =	sbarrier.arrive $0xFFFF  }
0x60: {  	[sflag:s0] =	ssyncadd.tile.s32 @!p0 $0x1;
	_ =	shalt  }
.Lfunc_end2:
_tile_overlayer_lowered:
.L_overlay_start_2:
0x61: {  	(tag) =	ssettag $0x2  }
0x62: {  	s0 =	rddreg [dreg:$0x0];
	s2 =	stileid.u32  }
0x63: {  	s1 =	rddreg [dreg:$0x1];
	p0 =	sne.s32 s2, $0x0  }
0x64: {  	s3 =	rddreg [dreg:$0x2];
	[bflag:$0x3] =	sbarrier.arrive $0xFFFF;
	s2 =	simm.s32 @!p0 $0x1C02  }
0x65: {  	[timem:s3], [sflag:s2] =	dma.local @!p0 [hbm:s0], s1  }
0x66: {  	s0 =	simm.s32 @!p0 $0x2  }
0x67: {  	_ =	swait.ge @!p0 [sflag:s0], s1  }
0x68: {  	s1 =	ssub.s32 @!p0 $0x0, s1;
	[sflag:s0] =	ssyncset.done @!p0 $0x0  }
0x69: {  	[sflag:s0] =	ssyncadd.s32 @!p0 s1  }
0x6a: {  	[bflag:$0x3] =	sbarrier.arrive $0xFFFF  }
0x6b: {  	_ =	shalt  }

// kernel: kernel.19.cloned.1.call-start
scs
__scs_entry_jumppad:
0x0: {  	(pc) =	sbr.rel $0x88, $3  }
0x1: {  	(tag) =	ssettag $0x0;
	lr =	simm.s32 $0x1  }
0x2: {  	[smem:$0x3F99] =	sst lr;
	_ =	strace $0xD0000000  }
0x3: {  	_ = 	snop  }
0x4: {  	_ = 	snop  }
0x5: {  	_ = 	snop  }
0x6: {  	_ = 	snop  }
0x7: {  	_ = 	snop  }
__scs_overlays_trampoline_lowered:
0x8: {  	[smem:$0x3FA8] =	sst s0  }
0x9: {  	[smem:$0x3FA9] =	sst s1  }
0xa: {  	[smem:$0x3FAA] =	sst s2  }
0xb: {  	[smem:$0x3FAB] =	sst s3  }
0xc: {  	[smem:$0x3FAC] =	sst s4  }
0xd: {  	[smem:$0x3FAD] =	sst s5  }
0xe: {  	[smem:$0x3FAE] =	sst s6  }
0xf: {  	[smem:$0x3FAF] =	sst s7  }
0x10: {  	[smem:$0x3FB0] =	sst s8  }
0x11: {  	[smem:$0x3FB1] =	sst s9;
	s0 =	simm.s32 @!p0 $0x0  }
0x12: {  	s1 =	sld [smem:$0x3F97];
	s0 =	simm.s32 @p0 $0x1  }
0x13: {  	[smem:$0x3FB2] =	sst s0;
	s0 =	simm.s32 @!p1 $0x0  }
0x14: {  	s2 =	sld [smem:$0x3F96];
	s0 =	simm.s32 @p1 $0x1  }
0x15: {  	[smem:$0x3FB3] =	sst s0;
	s0 =	simm.s32 @!p2 $0x0  }
0x16: {  	s3 =	sld [smem:$0x3FDB];
	s0 =	simm.s32 @p2 $0x1  }
0x17: {  	s4 =	simm.s32 $0x1BF5;
	[smem:$0x3FB5] =	sst s0  }
0x18: {  	s0 =	sld [smem:$0x3F98];
	_ =	swait.ge [sflag:s4], $0x0  }
0x19: {  	s7 =	sld [smem:$0x3F99]  }
0x1a: {  	s8 =	sadd.s32 $0xFFFFE003, lr  }
0x1b: {  	s9 =	sadd.s32 $0xFFFFFEF7, lr;
	s5 =	simm.s32 $0xFFFFFFFF;
	p2 =	slt.u32 s8, $0xFFFFF086  }
0x1c: {  	p1 =	slt.u32 s9, $0xF7A;
	s5 =	simm.s32 @!p2 $0x0  }
0x1d: {  	s5 =	simm.s32 @p1 $0x1;
	p0 =	seq.s32 s7, s2  }
0x1e: {  	s7 =	smul.u32 @!p0 $0xF7A, s2;
	p2 =	seq.s32 @!p0 s5, $0x0  }
0x1f: {  	s9 =	smul.u32 $0xF7A, s1;
	s8 =	simm.s32 @!p0 $0x1BF5;
	p2 =	por !p2, p0  }
0x20: {  	[sflag:s8] =	ssyncset.s32 @!p0 $0xFFFFF086;
	s6 =	sadd.s32 @!p0 s3, s7;
	s7 =	simm.s32 @!p0 $0x108  }
0x21: {  	s3 =	sadd.s32 s3, s9;
	s6 =	sadd.s32 @!p0 $0x88, s6;
	s7 =	simm.s32 @p2 $0x1082  }
0x22: {  	[simem:s7], [sflag:s8] =	dma.local @!p0 [hbm:s6], $0xF7A  }
0x23: {  	s9 =	sor.u32 $0xD0000000, s2;
	s6 =	simm.s32 $0x108;
	_ =	swait.ge @!p0 [sflag:s8], $0x0  }
0x24: {  	s3 =	sadd.s32 $0x88, s3;
	s6 =	simm.s32 @!p1 $0x1082;
	[sflag:s4] =	ssyncset.s32 $0xFFFFF086  }
0x25: {  	[simem:s6], [sflag:s4] =	dma.local [hbm:s3], $0xF7A  }
0x26: {  	[smem:$0x3F99] =	sst s1;
	(tag) =	ssettag s2;
	_ =	strace s9  }
0x27: {  	s1 =	sld [smem:$0x3FA9]  }
0x28: {  	s2 =	sld [smem:$0x3FAA]  }
0x29: {  	s4 =	sld [smem:$0x3FAC]  }
0x2a: {  	p0 =	seq.s32 s5, $0x0;
	s5 =	sld [smem:$0x3FAD]  }
0x2b: {  	s6 =	sld [smem:$0x3FAE]  }
0x2c: {  	s7 =	sld [smem:$0x3FAF]  }
0x2d: {  	s3 =	simm.s32 $0x108;
	s8 =	sld [smem:$0x3FB0]  }
0x2e: {  	s3 =	simm.s32 @!p0 $0x1082;
	s9 =	sld [smem:$0x3FB1]  }
0x2f: {  	lr =	sadd.s32 s0, s3;
	s0 =	sld [smem:$0x3FA8]  }
0x30: {  	s3 =	sld [smem:$0x3FAB]  }
0x31: {  	[smem:$0x3FB4] =	sst s10  }
0x32: {  	s10 =	sld [smem:$0x3FB2];
	_ =	sdelay $0x3  }
0x33: {  	p0 =	seq.s32 s10, $0x1;
	s10 =	sld [smem:$0x3FB4];
	_ =	sdelay $0x3  }
0x34: {  	[smem:$0x3FB4] =	sst s10  }
0x35: {  	s10 =	sld [smem:$0x3FB3];
	_ =	sdelay $0x3  }
0x36: {  	p1 =	seq.s32 s10, $0x1;
	s10 =	sld [smem:$0x3FB4];
	_ =	sdelay $0x3  }
0x37: {  	[smem:$0x3FB4] =	sst s10  }
0x38: {  	s10 =	sld [smem:$0x3FB5]  }
0x39: {  	_ = 	snop;
	(pc) =	sbr.ind lr, $3  }
0x3a: {  	_ = 	snop  }
0x3b: {  	_ = 	snop  }
0x3c: {  	p2 =	seq.s32 s10, $0x1;
	s10 =	sld [smem:$0x3FB4]  }
0x3d: {  	_ =	shalt  }
0x3e: {  	_ =	shalt  }
0x3f: {  	_ =	shalt  }
0x40: {  	_ =	shalt  }
0x41: {  	_ =	shalt  }
0x42: {  	_ =	shalt  }
0x43: {  	_ =	shalt  }
0x44: {  	_ =	shalt  }
0x45: {  	_ =	shalt  }
0x46: {  	_ =	shalt  }
0x47: {  	_ =	shalt  }
0x48: {  	_ =	shalt  }
0x49: {  	_ =	shalt  }
0x4a: {  	_ =	shalt  }
0x4b: {  	_ =	shalt  }
0x4c: {  	_ =	shalt  }
0x4d: {  	_ =	shalt  }
0x4e: {  	_ =	shalt  }
0x4f: {  	_ =	shalt  }
0x50: {  	_ =	shalt  }
0x51: {  	_ =	shalt  }
0x52: {  	_ =	shalt  }
0x53: {  	_ =	shalt  }
0x54: {  	_ =	shalt  }
0x55: {  	_ =	shalt  }
0x56: {  	_ =	shalt  }
0x57: {  	_ =	shalt  }
0x58: {  	_ =	shalt  }
0x59: {  	_ =	shalt  }
0x5a: {  	_ =	shalt  }
0x5b: {  	_ =	shalt  }
0x5c: {  	_ =	shalt  }
0x5d: {  	_ =	shalt  }
0x5e: {  	_ =	shalt  }
0x5f: {  	_ =	shalt  }
0x60: {  	_ =	shalt  }
0x61: {  	_ =	shalt  }
0x62: {  	_ =	shalt  }
0x63: {  	_ =	shalt  }
0x64: {  	_ =	shalt  }
0x65: {  	_ =	shalt  }
0x66: {  	_ =	shalt  }
0x67: {  	_ =	shalt  }
0x68: {  	_ =	shalt  }
0x69: {  	_ =	shalt  }
0x6a: {  	_ =	shalt  }
0x6b: {  	_ =	shalt  }
0x6c: {  	_ =	shalt  }
0x6d: {  	_ =	shalt  }
0x6e: {  	_ =	shalt  }
0x6f: {  	_ =	shalt  }
0x70: {  	_ =	shalt  }
0x71: {  	_ =	shalt  }
0x72: {  	_ =	shalt  }
0x73: {  	_ =	shalt  }
0x74: {  	_ =	shalt  }
0x75: {  	_ =	shalt  }
0x76: {  	_ =	shalt  }
0x77: {  	_ =	shalt  }
0x78: {  	_ =	shalt  }
0x79: {  	_ =	shalt  }
0x7a: {  	_ =	shalt  }
0x7b: {  	_ =	shalt  }
0x7c: {  	_ =	shalt  }
0x7d: {  	_ =	shalt  }
0x7e: {  	_ =	shalt  }
0x7f: {  	_ =	shalt  }
0x80: {  	_ =	shalt  }
0x81: {  	_ =	shalt  }
0x82: {  	_ =	shalt  }
0x83: {  	_ =	shalt  }
0x84: {  	_ =	shalt  }
0x85: {  	_ =	shalt  }
0x86: {  	_ =	shalt  }
0x87: {  	_ =	shalt  }
.Lfunc_end0:
.L_simem_size_0:
called_computation.3_lowered:
.L_overlay_start_0:
0x88: {  	s2 =	sld [smem:$0x3FD9]  }
0x89: {  	s3 =	sld [smem:$0x3FFE];
	_ =	sdelay $0x1  }
0x8a: {  	s1 =	srdreg.scid  }
0x8b: {  	s0 =	sand.u32 $0x1, s1  }
0x8c: {  	s17 =	sshll.u32 s0, $0xA;
	s2 =	sadd.s32 s3, s2  }
0x8d: {  	s2 =	sadd.s32 s2, s17  }
0x8e: {  	[smem:$0x3FC0] =	sst s2  }
0x8f: {  	_ = 	snop  }
0x90: {  	s2 =	sld [smem:$0x3FD0];
	(tm) =	ssettm $0x1  }
0x91: {  	s18 =	sld [smem:$0x3FFB];
	_ =	sdelay $0x3  }
0x92: {  	_ =	strace s18  }
0x93: {  	s3 =	sld [smem:$0x3FFC];
	_ =	sdelay $0x3  }
0x94: {  	_ =	strace s3  }
0x95: {  	s3 =	sld [smem:$0x3FFD];
	_ =	sdelay $0x3  }
0x96: {  	_ =	strace s3  }
0x97: {  	_ =	strace $0x8FFFFFFF  }
0x98: {  	s19 =	sld [smem:$0x3FDB];
	_ =	sdelay $0x1  }
0x99: {  	s4 =	simm.s32 $_scs_section_size  }
0x9a: {  	s5 =	simm.s32 $_size__tile_overlayer_lowered;
	s6 =	simm.s32 $_tile_overlayer_lowered  }
0x9b: {  	s22 =	simm.s32 $0x1BFF;
	s21 =	sshll.u32 s6, $0x1;
	s3 =	sadd.s32 s4, s19  }
0x9c: {  	s7 =	simm.s32 $0x0;
	s20 =	sshll.u32 s5, $0x1;
	s5 =	sadd.s32 s21, s3  }
0x9d: {  	[timem:s7], [sflag:s22] =	dma.local [hbm:s5], s20  }
0x9e: {  	_ =	swait.ge [sflag:s22], s20  }
0x9f: {  	s4 =	ssub.s32 $0x0, s20;
	[sflag:s22] =	ssyncset.done $0x0  }
0xa0: {  	[sflag:s22] =	ssyncadd.s32 s4;
	_ =	sdelay $0x1  }
0xa1: {  	s23 =	simm.s32 $0x1B8B  }
0xa2: {  	_ =	swait.ge [sflag:s23], $0x1  }
0xa3: {  	[sflag:s23] =	ssyncset.done $0x0  }
0xa4: {  	s25 =	simm.s32 $0x1B8E;
	s24 =	sld [smem:$0x3FFE];
	[sflag:s23] =	ssyncadd.s32 $0xFFFFFFFF  }
0xa5: {  	s26 =	simm.s32 $execute0_lowered;
	[smem:$0x3FD2] =	sst s25  }
0xa6: {  	s5 =	sshll.u32 s26, $0x1;
	_ =	strace $0x8000004F;
	[dreg:$0x1] =	wrdreg $0xFFFFFFFF  }
0xa7: {  	s28 =	simm.s32 $_size_execute0_lowered;
	s3 =	sadd.s32 s3, s5;
	[dreg:$0x0] =	wrdreg $0x0  }
0xa8: {  	s5 =	sshll.u32 s28, $0x1;
	[dreg:$0x2] =	wrdreg s3  }
0xa9: {  	[dreg:$0x3] =	wrdreg s5  }
0xaa: {  	[dreg:$0x4] =	wrdreg $0xC0  }
0xab: {  	_ =	task [dreg:s7], $0x5FFFF  }
0xac: {  	[dreg:$0x1] =	wrdreg $0xFFFFFFFF  }
0xad: {  	[dreg:$0x0] =	wrdreg $0x60  }
0xae: {  	[dreg:$0x2] =	wrdreg s24  }
0xaf: {  	[dreg:$0x3] =	wrdreg s2  }
0xb0: {  	[dreg:$0x4] =	wrdreg $0x90000  }
0xb1: {  	[dreg:$0x5] =	wrdreg $0x9  }
0xb2: {  	_ =	task.clear_ibuf [dreg:s7], $0x6FFFF;
	_ =	strace $0x9000004F  }
0xb3: {  	s29 =	simm.s32 $0x9;
	_ =	strace $0x80000051  }
0xb4: {  	_ =	swait.ge [sflag:s29], $0x1  }
0xb5: {  	[sflag:s29] =	ssyncadd.s32 $0xFFFFFFFF  }
0xb6: {  	_ =	strace $0x90000051  }
0xb7: {  	_ =	sfence  }
0xb8: {  	s30 =	sld [smem:$0x0];
	_ =	sdelay $0x2  }
0xb9: {  	s31 =	sshll.u32 s1, $0xD;
	s1 =	sshrl.u32 s1, $0x2  }
0xba: {  	s3 =	sand.u32 $0x4000, s31;
	s1 =	sadd.s32 s1, s30  }
0xbb: {  	s0 =	sor.u32 s3, s0;
	s1 =	sshll.u32 s1, $0x11  }
0xbc: {  	s0 =	sor.u32 s1, s0  }
0xbd: {  	s0 =	sadd.s32 $0x8F2B, s0  }
0xbe: {  	[sflag:s0] =	ssyncadd.remote.s32 $0x1  }
0xbf: {  	_ =	sfence.sel $0xFFFF  }
0xc0: {  	[dreg:$0x0] =	wrdreg $0xFFFFFFFF;
	(pc) =	sbr.abs _section_cstart, $3  }
0xc1: {  	[dreg:$0x1] =	wrdreg $0xFFFFFFFF  }
0xc2: {  	_ =	task.clear_ibuf [dreg:s7], $0x2FFFF;
	_ =	strace $0x9FFFFFFF  }
0xc3: {  	(tm) =	ssettm $0x7FFFFFFF  }
tec
execute0_lowered:
.L_overlay_start_1:
0x0: {  	(tag) =	ssettag $0x1  }
0x1: {  	s5 =	rddreg [dreg:$0x0]  }
0x2: {  	s6 =	rddreg [dreg:$0x1]  }
0x3: {  	s2 =	rddreg [dreg:$0x2];
	s3 =	srdreg.scid  }
0x4: {  	s0 =	rddreg [dreg:$0x3];
	s1 =	stileid.u32;
	s15 =	simm.s32 $0x2800  }
0x5: {  	s16 =	simm.s32 $0x5000;
	s17 =	simm.s32 $0x80;
	s18 =	simm.s32 $0x1  }
0x6: {  	s21 =	simm.s32 $0x0;
	s7 =	sand.u32 $0x1, s3;
	s10 =	smul.u32 $0x14000, s1  }
0x7: {  	s3 =	simm.s32 $0x0;
	s4 =	sshll.u32 s1, $0x1;
	s30 =	smul.u32 $0x50000, s1  }
0x8: {  	s19 =	sshll.u32 s1, $0x6;
	s8 =	smul.u32 $0x140000, s7;
	[smem:$0x7FF] =	sst s3  }
0x9: {  	s9 =	sor.u32 s7, s4;
	s4 =	sadd.s32 $0x5D000, s5;
	s7 =	ssub.s32 $0x2, s7  }
0xa: {  	s19 =	sor.u32 $0x1C02, s19;
	_ =	strace $0x80000050;
	s9 =	smul.u32 $0x500, s9  }
0xb: {  	s12 =	sshrl.u32 s7, $0x1;
	s31 =	sshrl.u32 s30, $0x2;
	s8 =	sadd.s32 s10, s8  }
0xc: {  	s14 =	ssub.s32 s7, s12;
	s7 =	sadd.s32 s31, s2;
	s11 =	sadd.s32 s9, s5  }
0xd: {  	s8 =	sshrl.u32 s8, $0x3;
	s6 =	sadd.s32 s6, s9;
	s9 =	sadd.s32 $0x8000, s7  }
0xe: {  	s10 =	sadd.s32 $0xC000, s7;
	s20 =	sshrl.u32 s7, $0x3;
	s13 =	sadd.s32 s8, s5  }
0xf: {  	s5 =	sadd.s32 $0x53000, s11;
	s8 =	sadd.s32 $0x4000, s7;
	s11 =	sadd.s32 $0x10000, s7  }
0x10: {  	v0 =	vimm.f32 $0.0e+00;
	s12 =	sadd.s32 $0x85000, s13;
	s13 =	smax.u32 s14, $0x1;
	s14 =	simm.s32 $0x2  }
.LBB2_1:
0x11: {  	[tilespmem:s3], [sflag:$0x2] =	stream.linear.gather [hbm4b:s5+s3], $0x2780, $0x38;
	[tilespmem:$0x1D000] =	vst v63  }
0x12: {  	_ =	swait.ge [sflag:s14], $0x2780  }
0x13: {  	[sflag:s14] =	ssyncset.done $0x0  }
0x14: {  	[sflag:s14] =	ssyncadd.s32 $0xFFFFD880  }
0x15: {  	[tilespmem:s15], [sflag:$0x2] =	stream.linear.gather [hbm4b:s6+s3], $0x2780, $0x38;
	[tilespmem:$0x1D000] =	vst v63  }
0x16: {  	_ =	swait.ge [sflag:s14], $0x2780  }
0x17: {  	[sflag:s14] =	ssyncset.done $0x0  }
0x18: {  	s22 =	simm.s32 $0x0;
	s23 =	simm.s32 $0x200;
	[sflag:s14] =	ssyncadd.s32 $0xFFFFD880  }
.LBB2_2:
0x19: {  	p0 =	sne.s32 s23, $0xFE00;
	[tilespmem:s22+$0x5070] =	vst v0  }
0x1a: {  	[tilespmem:s22+$0x5000] =	vst v0  }
0x1b: {  	[tilespmem:s22+$0x5010] =	vst v0  }
.Ltmp0:
0x1c: {  	[tilespmem:s22+$0x5020] =	vst v0;
	(pc) =	sbr.rel @p0 .LBB2_2-.Ltmp0, $4  }
0x1d: {  	[tilespmem:s22+$0x5030] =	vst v0  }
0x1e: {  	[tilespmem:s22+$0x5040] =	vst v0  }
0x1f: {  	[tilespmem:s22+$0x5050] =	vst v0  }
0x20: {  	[tilespmem:s22+$0x5060] =	vst v0;
	s22 =	sshra.s32 s23, $0x2;
	s23 =	sadd.s32 $0x200, s23  }
0x21: {  	[tilespmem:s22+$0x5070] =	vst v0  }
0x22: {  	[tilespmem:s22+$0x5000] =	vst v0  }
0x23: {  	[tilespmem:s22+$0x5010] =	vst v0  }
0x24: {  	[tilespmem:s22+$0x5020] =	vst v0  }
0x25: {  	[tilespmem:s22+$0x5030] =	vst v0  }
0x26: {  	[tilespmem:s22+$0x5040] =	vst v0  }
0x27: {  	[tilespmem:s22+$0x5050] =	vst v0  }
0x28: {  	[tilespmem:s22+$0x5060] =	vst v0  }
0x29: {  	[spmem:s7] =	stream.linear.scatter [tilespmem:s16], [sflag:$0x2], $0x4000, $0x38;
	[tilespmem:$0x1D000] =	vst v63  }
0x2a: {  	_ =	swait.ge [sflag:s14], $0x4000  }
0x2b: {  	[sflag:s14] =	ssyncset.done $0x0  }
0x2c: {  	[sflag:s14] =	ssyncadd.s32 $0xFFFFC000  }
0x2d: {  	[spmem:s8] =	stream.linear.scatter [tilespmem:s16], [sflag:$0x2], $0x4000, $0x38;
	[tilespmem:$0x1D000] =	vst v63  }
0x2e: {  	_ =	swait.ge [sflag:s14], $0x4000  }
0x2f: {  	[sflag:s14] =	ssyncset.done $0x0  }
0x30: {  	[sflag:s14] =	ssyncadd.s32 $0xFFFFC000  }
0x31: {  	[spmem:s9] =	stream.linear.scatter [tilespmem:s16], [sflag:$0x2], $0x4000, $0x38;
	[tilespmem:$0x1D000] =	vst v63  }
0x32: {  	_ =	swait.ge [sflag:s14], $0x4000  }
0x33: {  	[sflag:s14] =	ssyncset.done $0x0  }
0x34: {  	[sflag:s14] =	ssyncadd.s32 $0xFFFFC000  }
0x35: {  	[spmem:s10] =	stream.linear.scatter [tilespmem:s16], [sflag:$0x2], $0x4000, $0x38;
	[tilespmem:$0x1D000] =	vst v63  }
0x36: {  	_ =	swait.ge [sflag:s14], $0x4000  }
0x37: {  	[sflag:s14] =	ssyncset.done $0x0  }
0x38: {  	[sflag:s14] =	ssyncadd.s32 $0xFFFFC000  }
0x39: {  	[spmem:s11] =	stream.linear.scatter [tilespmem:s16], [sflag:$0x2], $0x4000, $0x38;
	[tilespmem:$0x1D000] =	vst v63  }
0x3a: {  	_ =	swait.ge [sflag:s14], $0x4000  }
0x3b: {  	[sflag:s14] =	ssyncset.done $0x0  }
0x3c: {  	[sflag:s14] =	ssyncadd.s32 $0xFFFFC000  }
0x3d: {  	s30 =	simm.s32 $0x0;
	[bflag:$0x0] =	sbarrier.arrive $0xFFFF  }
0x3e: {  	[tilespmem:s16], [sflag:$0x1] =	stream.indirect.gather [hbm4b:s4+s17], $0x80, s30, s17, $0xb8;
	[tilespmem:$0x1D000] =	vst v63  }
0x3f: {  	_ =	swait.ge [sflag:s18], $0x4000  }
0x40: {  	[sflag:s18] =	ssyncset.done $0x0  }
0x41: {  	s31 =	simm.s32 $0x2800;
	[sflag:s18] =	ssyncadd.s32 $0xFFFFC000  }
0x42: {  	[spmem:s2] =	stream.indirect.scatter.add.f32 [tilespmem:s16], [sflag:$0x2], $0x80, s31, s17, $0xb8;
	[tilespmem:$0x1D000] =	vst v63  }
0x43: {  	_ =	swait.ge [sflag:s14], $0x4000  }
0x44: {  	s22 =	simm.s32 $0x200;
	s23 =	simm.s32 $0x400;
	[sflag:s14] =	ssyncset.done $0x0  }
.LBB2_4:
0x45: {  	s24 =	sshra.s32 s22, $0x2  }
0x46: {  	[sflag:s14] =	ssyncadd.s32 $0xFFFFC000;
	s22 =	smov.u32 s23;
	s25 =	sadd.s32 $0x200, s23  }
0x47: {  	[tilespmem:s16], [sflag:$0x1] =	stream.indirect.gather [hbm4b:s4+s17], $0x80, s24, s17, $0xb8;
	[tilespmem:$0x1D000] =	vst v63  }
0x48: {  	p0 =	sne.s32 s23, $0x9C00;
	_ =	swait.ge [sflag:s18], $0x4000  }
.Ltmp1:
0x49: {  	[sflag:s18] =	ssyncset.done $0x0;
	(pc) =	sbr.rel @p0 .LBB2_4-.Ltmp1, $4  }
0x4a: {  	s23 =	sadd.s32 $0x2800, s24;
	[sflag:s18] =	ssyncadd.s32 $0xFFFFC000  }
0x4b: {  	[spmem:s2] =	stream.indirect.scatter.add.f32 [tilespmem:s16], [sflag:$0x2], $0x80, s23, s17, $0xb8;
	[tilespmem:$0x1D000] =	vst v63  }
0x4c: {  	_ =	swait.ge [sflag:s14], $0x4000  }
0x4d: {  	s23 =	smov.u32 s25;
	[sflag:s14] =	ssyncset.done $0x0  }
0x4e: {  	s22 =	sshra.s32 s22, $0x2;
	[sflag:s14] =	ssyncadd.s32 $0xFFFFC000  }
0x4f: {  	[tilespmem:s16], [sflag:$0x1] =	stream.indirect.gather [hbm4b:s4+s17], $0x80, s22, s17, $0xb8;
	[tilespmem:$0x1D000] =	vst v63  }
0x50: {  	_ =	swait.ge [sflag:s18], $0x4000  }
0x51: {  	[sflag:s18] =	ssyncset.done $0x0  }
0x52: {  	s22 =	sadd.s32 $0x2800, s22;
	[sflag:s18] =	ssyncadd.s32 $0xFFFFC000  }
0x53: {  	[spmem:s2] =	stream.indirect.scatter.add.f32 [tilespmem:s16], [sflag:$0x2], $0x80, s22, s17, $0xb8;
	[tilespmem:$0x1D000] =	vst v63  }
0x54: {  	_ =	swait.ge [sflag:s14], $0x4000  }
0x55: {  	s21 =	sadd.s32 $0x1, s21;
	[sflag:s14] =	ssyncset.done $0x0  }
0x56: {  	p0 =	sne.s32 s21, s13;
	[sflag:s14] =	ssyncadd.s32 $0xFFFFC000  }
.Ltmp2:
0x57: {  	[bflag:$0x0] =	sbarrier.arrive $0xFFFF;
	(pc) =	sbr.rel @p0 .LBB2_1-.Ltmp2, $4  }
0x58: {  	[hbm:s12], [sflag:s19] =	dma.local [spmem:s20], $0x2800  }
0x59: {  	_ =	swait.ge [sflag:s14], $0x2800  }
0x5a: {  	[sflag:s14] =	ssyncset.done $0x0  }
0x5b: {  	[sflag:s14] =	ssyncadd.s32 $0xFFFFD800  }
0x5c: {  	_ =	sfence.sel $0x180000  }
0x5d: {  	[bflag:$0x0] =	sbarrier.arrive $0xFFFF  }
0x5e: {  	p0 =	sne.s32 s1, $0x0;
	_ =	strace $0x90000050  }
0x5f: {  	s0 =	sadd.s32 @!p0 $0x100000, s0;
	[bflag:$0x2] =	sbarrier.arrive $0xFFFF  }
0x60: {  	[sflag:s0] =	ssyncadd.tile.s32 @!p0 $0x1;
	_ =	shalt  }
.Lfunc_end2:
_tile_overlayer_lowered:
.L_overlay_start_2:
0x61: {  	(tag) =	ssettag $0x2  }
0x62: {  	s0 =	rddreg [dreg:$0x0];
	s2 =	stileid.u32  }
0x63: {  	s1 =	rddreg [dreg:$0x1];
	p0 =	sne.s32 s2, $0x0  }
0x64: {  	s3 =	rddreg [dreg:$0x2];
	[bflag:$0x3] =	sbarrier.arrive $0xFFFF;
	s2 =	simm.s32 @!p0 $0x1C02  }
0x65: {  	[timem:s3], [sflag:s2] =	dma.local @!p0 [hbm:s0], s1  }
0x66: {  	s0 =	simm.s32 @!p0 $0x2  }
0x67: {  	_ =	swait.ge @!p0 [sflag:s0], s1  }
0x68: {  	s1 =	ssub.s32 @!p0 $0x0, s1;
	[sflag:s0] =	ssyncset.done @!p0 $0x0  }
0x69: {  	[sflag:s0] =	ssyncadd.s32 @!p0 s1  }
0x6a: {  	[bflag:$0x3] =	sbarrier.arrive $0xFFFF  }
0x6b: {  	_ =	shalt  }

</sc_bundles>
